<compile_context>
chip_gen: v7x
topology: tpu7x:2x2x1
jax: 0.10.2.dev20260603
libtpu: 0.0.44.dev20260713+nightly
codegen_flags: <defaults>
</compile_context>

<pallas_src>
import functools

import jax
import jax.numpy as jnp
from jax import lax
from jax.experimental import pallas as pl
from jax.experimental.pallas import tpu as pltpu
from jax.experimental.pallas import tpu_sc as plsc

N_NODES = 10000
D = 128
D_OUT = 64
NPAD = 10240
E_EDGES = 320000
CH = 128
EPAD = 323584
EPT = EPAD // 32
NCH = EPT // CH
RPT = NPAD // 16

_mesh = plsc.VectorSubcoreMesh(core_axis_name="c", subcore_axis_name="s")


@functools.partial(
    pl.kernel,
    out_type=jax.ShapeDtypeStruct((2, NPAD, D), jnp.float32),
    mesh=_mesh,
    scratch_types=[
        pltpu.VMEM((CH,), jnp.int32),
        pltpu.VMEM((CH,), jnp.int32),
        pltpu.VMEM((CH, D), jnp.float32),
        pltpu.VMEM_SHARED((NPAD, D), jnp.float32),
        pltpu.SemaphoreType.DMA,
    ],
)
def _prop(table, srcp, dstp, out, sidx, didx, rows, acc, sem):
    cid = lax.axis_index("c")
    sid = lax.axis_index("s")

    def _zero_rows(i, carry):
        for j in range(D // 16):
            rows[i, pl.ds(j * 16, 16)] = jnp.zeros((16,), jnp.float32)
        return carry

    lax.fori_loop(0, CH, _zero_rows, 0)
    for k in range(RPT // CH):
        pltpu.sync_copy(rows, acc.at[pl.ds((sid * (RPT // CH) + k) * CH, CH)])
    plsc.subcore_barrier()

    ebase = (cid * 16 + sid) * EPT

    def _step(i, carry):
        b = ebase + i * CH
        pltpu.sync_copy(srcp.at[pl.ds(b, CH)], sidx)
        pltpu.sync_copy(dstp.at[pl.ds(b, CH)], didx)
        pltpu.async_copy(table.at[sidx], rows, sem).wait()
        pltpu.sync_copy(rows, acc.at[didx], add=True)
        return carry

    lax.fori_loop(0, NCH, _step, 0)
    plsc.subcore_barrier()

    r0 = sid * RPT
    pltpu.sync_copy(acc.at[pl.ds(r0, RPT)], out.at[cid, pl.ds(r0, RPT)])


@functools.partial(
    pl.kernel,
    out_type=jax.ShapeDtypeStruct((2, NPAD, D), jnp.float32),
    mesh=_mesh,
    scratch_types=[
        pltpu.VMEM((CH,), jnp.int32),
        pltpu.VMEM((CH, D), jnp.float32),
        pltpu.VMEM_SHARED((NPAD, D), jnp.float32),
        pltpu.SemaphoreType.DMA,
    ],
)
def _degcount(dstp, out, didx, ones_b, dacc, sem):
    cid = lax.axis_index("c")
    sid = lax.axis_index("s")

    def _fill0(i, carry):
        for j in range(D // 16):
            ones_b[i, pl.ds(j * 16, 16)] = jnp.zeros((16,), jnp.float32)
        return carry

    lax.fori_loop(0, CH, _fill0, 0)
    for k in range(RPT // CH):
        pltpu.sync_copy(ones_b, dacc.at[pl.ds((sid * (RPT // CH) + k) * CH, CH)])

    def _fill1(i, carry):
        for j in range(D // 16):
            ones_b[i, pl.ds(j * 16, 16)] = jnp.ones((16,), jnp.float32)
        return carry

    lax.fori_loop(0, CH, _fill1, 0)
    plsc.subcore_barrier()

    ebase = (cid * 16 + sid) * EPT

    def _step(i, carry):
        b = ebase + i * CH
        pltpu.sync_copy(dstp.at[pl.ds(b, CH)], didx)
        pltpu.sync_copy(ones_b, dacc.at[didx], add=True)
        return carry

    lax.fori_loop(0, NCH, _step, 0)
    plsc.subcore_barrier()

    r0 = sid * RPT
    pltpu.sync_copy(dacc.at[pl.ds(r0, RPT)], out.at[cid, pl.ds(r0, RPT)])


BM = 512
GRID = NPAD // BM


def _k1_body(deg_ref, x_ref, xs_ref):
    deg = deg_ref[0] + deg_ref[1] + 1.0
    dinv = lax.rsqrt(deg)
    xs_ref[...] = x_ref[...] * dinv[:, None]


_k1 = pl.pallas_call(
    _k1_body,
    grid=(GRID,),
    in_specs=[
        pl.BlockSpec((2, BM), lambda i: (0, i)),
        pl.BlockSpec((BM, D), lambda i: (i, 0)),
    ],
    out_specs=pl.BlockSpec((BM, D), lambda i: (i, 0)),
    out_shape=jax.ShapeDtypeStruct((NPAD, D), jnp.float32),
)


def _k2_body(deg_ref, raw_ref, x_ref, w_ref, b_ref, h_ref, hs_ref):
    deg = deg_ref[0] + deg_ref[1] + 1.0
    dinv = lax.rsqrt(deg)
    agg = (raw_ref[0] + raw_ref[1]) * dinv[:, None] + x_ref[...] * (dinv * dinv)[:, None]
    h = jnp.maximum(
        jnp.dot(agg, w_ref[...], preferred_element_type=jnp.float32) + b_ref[...], 0.0
    )
    h_ref[...] = h
    hs_ref[...] = h * dinv[:, None]


_k2 = pl.pallas_call(
    _k2_body,
    grid=(GRID,),
    in_specs=[
        pl.BlockSpec((2, BM), lambda i: (0, i)),
        pl.BlockSpec((2, BM, D), lambda i: (0, i, 0)),
        pl.BlockSpec((BM, D), lambda i: (i, 0)),
        pl.BlockSpec((D, D), lambda i: (0, 0)),
        pl.BlockSpec((1, D), lambda i: (0, 0)),
    ],
    out_specs=[
        pl.BlockSpec((BM, D), lambda i: (i, 0)),
        pl.BlockSpec((BM, D), lambda i: (i, 0)),
    ],
    out_shape=[
        jax.ShapeDtypeStruct((NPAD, D), jnp.float32),
        jax.ShapeDtypeStruct((NPAD, D), jnp.float32),
    ],
)


def _k3_body(deg_ref, raw_ref, h_ref, w_ref, b_ref, o_ref):
    deg = deg_ref[0] + deg_ref[1] + 1.0
    dinv = lax.rsqrt(deg)
    agg = (raw_ref[0] + raw_ref[1]) * dinv[:, None] + h_ref[...] * (dinv * dinv)[:, None]
    o_ref[...] = jnp.dot(agg, w_ref[...], preferred_element_type=jnp.float32) + b_ref[...]


_k3 = pl.pallas_call(
    _k3_body,
    grid=(GRID,),
    in_specs=[
        pl.BlockSpec((2, BM), lambda i: (0, i)),
        pl.BlockSpec((2, BM, D), lambda i: (0, i, 0)),
        pl.BlockSpec((BM, D), lambda i: (i, 0)),
        pl.BlockSpec((D, D), lambda i: (0, 0)),
        pl.BlockSpec((1, D), lambda i: (0, 0)),
    ],
    out_specs=pl.BlockSpec((BM, D), lambda i: (i, 0)),
    out_shape=jax.ShapeDtypeStruct((NPAD, D), jnp.float32),
)


def kernel(x, edge_index, W1, b1, W_mu, b_mu, W_logstd, b_logstd):
    src = edge_index[0].astype(jnp.int32)
    dst = edge_index[1].astype(jnp.int32)
    pad = EPAD - E_EDGES
    dump = N_NODES + (jnp.arange(pad, dtype=jnp.int32) % (NPAD - N_NODES))
    srcp = jnp.concatenate([src, jnp.zeros((pad,), jnp.int32)])
    dstp = jnp.concatenate([dst, dump])
    xpad = jnp.pad(x, ((0, NPAD - N_NODES), (0, 0)))

    degp = _degcount(dstp)
    deg2 = degp[:, :, 0]

    xs = _k1(deg2, xpad)
    raw1 = _prop(xs, srcp, dstp)
    h, hs = _k2(deg2, raw1, xpad, W1, b1.reshape(1, D))
    raw2 = _prop(hs, srcp, dstp)
    wcat = jnp.concatenate([W_mu, W_logstd], axis=1)
    bcat = jnp.concatenate([b_mu, b_logstd]).reshape(1, D)
    outc = _k3(deg2, raw2, h, wcat, bcat)
    return outc[:N_NODES, :D_OUT], outc[:N_NODES, D_OUT:]

# --- scband reference (transcript-rebuilt; emitter-appended) ---
"""Pipeline reference for scband-variational-gcnencoder-3032246911086 (READ-ONLY COPY).

The authoritative reference and input builder live on the scoring server;
editing this copy changes nothing except your own understanding.
"""

import jax, jax.numpy as jnp
import numpy as np

N = 10000
E = 320000
D_IN = 128
D_HID = 128  # 2 * out_channels
D_OUT = 64


def setup_inputs(seed: int = 0) -> dict:
    key = jax.random.key(seed)
    k_x, k_e, k1, k2, k3 = (jax.random.fold_in(key, i) for i in range(5))
    x = jax.random.normal(k_x, (N, D_IN), dtype=jnp.float32)
    edge_index = jax.random.randint(k_e, (2, E), 0, N, dtype=jnp.int64)
    # GCNConv learned params (glorot-ish scaling)
    W1 = jax.random.normal(k1, (D_IN, D_HID), dtype=jnp.float32) * (1.0 / np.sqrt(D_IN))
    b1 = jnp.zeros((D_HID,), dtype=jnp.float32)
    W_mu = jax.random.normal(k2, (D_HID, D_OUT), dtype=jnp.float32) * (1.0 / np.sqrt(D_HID))
    b_mu = jnp.zeros((D_OUT,), dtype=jnp.float32)
    W_logstd = jax.random.normal(k3, (D_HID, D_OUT), dtype=jnp.float32) * (1.0 / np.sqrt(D_HID))
    b_logstd = jnp.zeros((D_OUT,), dtype=jnp.float32)
    return {"x": x, "edge_index": edge_index, "W1": W1, "b1": b1,
            "W_mu": W_mu, "b_mu": b_mu, "W_logstd": W_logstd, "b_logstd": b_logstd}


def _gcn_conv(x, src, dst, norm, W, b):
    # GCNConv: linear transform, then normalized scatter-add aggregation + bias
    h = x @ W
    msg = h[src] * norm[:, None]
    out = jax.ops.segment_sum(msg, dst, num_segments=x.shape[0])
    return out + b


def reference(x, edge_index, W1, b1, W_mu, b_mu, W_logstd, b_logstd):
    n = x.shape[0]
    loop = jnp.arange(n, dtype=edge_index.dtype)
    src = jnp.concatenate([edge_index[0], loop])
    dst = jnp.concatenate([edge_index[1], loop])
    # symmetric normalization D^-1/2 A_hat D^-1/2 (degrees from dst, as in PyG)
    deg = jax.ops.segment_sum(jnp.ones_like(dst, dtype=x.dtype), dst, num_segments=n)
    dinv = jnp.where(deg > 0, deg ** -0.5, 0.0)
    norm = dinv[src] * dinv[dst]
    h = jax.nn.relu(_gcn_conv(x, src, dst, norm, W1, b1))
    mu = _gcn_conv(h, src, dst, norm, W_mu, b_mu)
    logstd = _gcn_conv(h, src, dst, norm, W_logstd, b_logstd)
    return (mu, logstd)

if __name__ == "__main__":
    import jax
    _d = setup_inputs()
    print(jax.jit(kernel)(*tuple(_d.values())))

</pallas_src>

<mosaic_0001>
#map = affine_map<(d0, d1) -> (0, 0)>
#map1 = affine_map<(d0, d1) -> (0)>
#map2 = affine_map<(d0, d1) -> (0, 0, 0)>
module attributes {stable_mosaic.version = 14 : i64} {
  func.func @_prop(%arg0: i32, %arg1: i32, %arg2: memref<10240x128xf32, #tpu.memory_space<hbm>>, %arg3: memref<323584xi32, #tpu.memory_space<hbm>>, %arg4: memref<323584xi32, #tpu.memory_space<hbm>>, %arg5: memref<2x10240x128xf32, #tpu.memory_space<hbm>>, %arg6: memref<128xi32, #tpu.memory_space<vmem>>, %arg7: memref<128xi32, #tpu.memory_space<vmem>>, %arg8: memref<128x128xf32, #tpu.memory_space<vmem>>, %arg9: memref<10240x128xf32, #tpu.memory_space<vmem_shared>>, %arg10: memref<!tpu.dma_semaphore, #tpu.memory_space<semaphore_mem>>) attributes {dimension_semantics = [#tpu.dimension_semantics<core_parallel>, #tpu.dimension_semantics<subcore_parallel>], iteration_bounds = array<i64: 2, 16>, scalar_prefetch = 0 : i64, scratch_operands = 5 : i64, tpu.core_type = #tpu.core_type<sc_vector_subcore>, window_params = [{transform_indices = #map}, {transform_indices = #map1}, {transform_indices = #map1}, {transform_indices = #map2}]} {
    %scan3A = arith.constant 0 : i32
    %scan3A_0 = arith.constant 0 : i32
    %scan3A_1 = arith.constant 128 : i32
    %scan3A_2 = arith.addi %scan3A_0, %scan3A_1 : i32
    %scan3A_3 = arith.constant 1 : i32
    scf.for %scan3A_47 = %scan3A_0 to %scan3A_2 step %scan3A_3  : i32 {
      %broadcast_in_dim3A = arith.constant 0.000000e+00 : f32
      %broadcast_in_dim3A_48 = vector.broadcast %broadcast_in_dim3A : f32 to vector<16xf32>
      %swap3A = arith.index_cast %scan3A_47 : i32 to index
      %swap3A_49 = arith.constant 0 : index
      %swap3A_50 = tpu.vector_load %arg8[%swap3A, %swap3A_49] {strides = array<i32>} : memref<128x128xf32, #tpu.memory_space<vmem>>, vector<1x16xf32>,
      %swap3A_51 = vector.shape_cast %swap3A_50 : vector<1x16xf32> to vector<16xf32>
      %swap3A_52 = vector.shape_cast %broadcast_in_dim3A_48 : vector<16xf32> to vector<1x16xf32>
      tpu.vector_store %arg8[%swap3A, %swap3A_49], %swap3A_52 {strides = array<i32>} : memref<128x128xf32, #tpu.memory_space<vmem>>, vector<1x16xf32>,
      %broadcast_in_dim3A_53 = arith.constant 0.000000e+00 : f32
      %broadcast_in_dim3A_54 = vector.broadcast %broadcast_in_dim3A_53 : f32 to vector<16xf32>
      %swap3A_55 = arith.index_cast %scan3A_47 : i32 to index
      %swap3A_56 = arith.constant 16 : index
      %swap3A_57 = tpu.vector_load %arg8[%swap3A_55, %swap3A_56] {strides = array<i32>} : memref<128x128xf32, #tpu.memory_space<vmem>>, vector<1x16xf32>,
      %swap3A_58 = vector.shape_cast %swap3A_57 : vector<1x16xf32> to vector<16xf32>
      %swap3A_59 = vector.shape_cast %broadcast_in_dim3A_54 : vector<16xf32> to vector<1x16xf32>
      tpu.vector_store %arg8[%swap3A_55, %swap3A_56], %swap3A_59 {strides = array<i32>} : memref<128x128xf32, #tpu.memory_space<vmem>>, vector<1x16xf32>,
      %broadcast_in_dim3A_60 = arith.constant 0.000000e+00 : f32
      %broadcast_in_dim3A_61 = vector.broadcast %broadcast_in_dim3A_60 : f32 to vector<16xf32>
      %swap3A_62 = arith.index_cast %scan3A_47 : i32 to index
      %swap3A_63 = arith.constant 32 : index
      %swap3A_64 = tpu.vector_load %arg8[%swap3A_62, %swap3A_63] {strides = array<i32>} : memref<128x128xf32, #tpu.memory_space<vmem>>, vector<1x16xf32>,
      %swap3A_65 = vector.shape_cast %swap3A_64 : vector<1x16xf32> to vector<16xf32>
      %swap3A_66 = vector.shape_cast %broadcast_in_dim3A_61 : vector<16xf32> to vector<1x16xf32>
      tpu.vector_store %arg8[%swap3A_62, %swap3A_63], %swap3A_66 {strides = array<i32>} : memref<128x128xf32, #tpu.memory_space<vmem>>, vector<1x16xf32>,
      %broadcast_in_dim3A_67 = arith.constant 0.000000e+00 : f32
      %broadcast_in_dim3A_68 = vector.broadcast %broadcast_in_dim3A_67 : f32 to vector<16xf32>
      %swap3A_69 = arith.index_cast %scan3A_47 : i32 to index
      %swap3A_70 = arith.constant 48 : index
      %swap3A_71 = tpu.vector_load %arg8[%swap3A_69, %swap3A_70] {strides = array<i32>} : memref<128x128xf32, #tpu.memory_space<vmem>>, vector<1x16xf32>,
      %swap3A_72 = vector.shape_cast %swap3A_71 : vector<1x16xf32> to vector<16xf32>
      %swap3A_73 = vector.shape_cast %broadcast_in_dim3A_68 : vector<16xf32> to vector<1x16xf32>
      tpu.vector_store %arg8[%swap3A_69, %swap3A_70], %swap3A_73 {strides = array<i32>} : memref<128x128xf32, #tpu.memory_space<vmem>>, vector<1x16xf32>,
      %broadcast_in_dim3A_74 = arith.constant 0.000000e+00 : f32
      %broadcast_in_dim3A_75 = vector.broadcast %broadcast_in_dim3A_74 : f32 to vector<16xf32>
      %swap3A_76 = arith.index_cast %scan3A_47 : i32 to index
      %swap3A_77 = arith.constant 64 : index
      %swap3A_78 = tpu.vector_load %arg8[%swap3A_76, %swap3A_77] {strides = array<i32>} : memref<128x128xf32, #tpu.memory_space<vmem>>, vector<1x16xf32>,
      %swap3A_79 = vector.shape_cast %swap3A_78 : vector<1x16xf32> to vector<16xf32>
      %swap3A_80 = vector.shape_cast %broadcast_in_dim3A_75 : vector<16xf32> to vector<1x16xf32>
      tpu.vector_store %arg8[%swap3A_76, %swap3A_77], %swap3A_80 {strides = array<i32>} : memref<128x128xf32, #tpu.memory_space<vmem>>, vector<1x16xf32>,
      %broadcast_in_dim3A_81 = arith.constant 0.000000e+00 : f32
      %broadcast_in_dim3A_82 = vector.broadcast %broadcast_in_dim3A_81 : f32 to vector<16xf32>
      %swap3A_83 = arith.index_cast %scan3A_47 : i32 to index
      %swap3A_84 = arith.constant 80 : index
      %swap3A_85 = tpu.vector_load %arg8[%swap3A_83, %swap3A_84] {strides = array<i32>} : memref<128x128xf32, #tpu.memory_space<vmem>>, vector<1x16xf32>,
      %swap3A_86 = vector.shape_cast %swap3A_85 : vector<1x16xf32> to vector<16xf32>
      %swap3A_87 = vector.shape_cast %broadcast_in_dim3A_82 : vector<16xf32> to vector<1x16xf32>
      tpu.vector_store %arg8[%swap3A_83, %swap3A_84], %swap3A_87 {strides = array<i32>} : memref<128x128xf32, #tpu.memory_space<vmem>>, vector<1x16xf32>,
      %broadcast_in_dim3A_88 = arith.constant 0.000000e+00 : f32
      %broadcast_in_dim3A_89 = vector.broadcast %broadcast_in_dim3A_88 : f32 to vector<16xf32>
      %swap3A_90 = arith.index_cast %scan3A_47 : i32 to index
      %swap3A_91 = arith.constant 96 : index
      %swap3A_92 = tpu.vector_load %arg8[%swap3A_90, %swap3A_91] {strides = array<i32>} : memref<128x128xf32, #tpu.memory_space<vmem>>, vector<1x16xf32>,
      %swap3A_93 = vector.shape_cast %swap3A_92 : vector<1x16xf32> to vector<16xf32>
      %swap3A_94 = vector.shape_cast %broadcast_in_dim3A_89 : vector<16xf32> to vector<1x16xf32>
      tpu.vector_store %arg8[%swap3A_90, %swap3A_91], %swap3A_94 {strides = array<i32>} : memref<128x128xf32, #tpu.memory_space<vmem>>, vector<1x16xf32>,
      %broadcast_in_dim3A_95 = arith.constant 0.000000e+00 : f32
      %broadcast_in_dim3A_96 = vector.broadcast %broadcast_in_dim3A_95 : f32 to vector<16xf32>
      %swap3A_97 = arith.index_cast %scan3A_47 : i32 to index
      %swap3A_98 = arith.constant 112 : index
      %swap3A_99 = tpu.vector_load %arg8[%swap3A_97, %swap3A_98] {strides = array<i32>} : memref<128x128xf32, #tpu.memory_space<vmem>>, vector<1x16xf32>,
      %swap3A_100 = vector.shape_cast %swap3A_99 : vector<1x16xf32> to vector<16xf32>
      %swap3A_101 = vector.shape_cast %broadcast_in_dim3A_96 : vector<16xf32> to vector<1x16xf32>
      tpu.vector_store %arg8[%swap3A_97, %swap3A_98], %swap3A_101 {strides = array<i32>} : memref<128x128xf32, #tpu.memory_space<vmem>>, vector<1x16xf32>,
    }
    %scan3A_4 = arith.constant 128 : i32
    %mul3A = arith.constant 5 : i32
    %mul3A_5 = arith.muli %arg1, %mul3A : i32
    %add3A = arith.constant 0 : i32
    %add3A_6 = arith.addi %mul3A_5, %add3A : i32
    %mul3A_7 = arith.constant 128 : i32
    %mul3A_8 = arith.muli %add3A_6, %mul3A_7 : i32
    "tpu.region"() ({
      %run_scoped3A = tpu.sem_alloc : memref<!tpu.dma_semaphore, #tpu.memory_space<semaphore_mem>>
      %dma_start3A = arith.constant 0 : i32
      %dma_start3A_47 = tpu.memref_slice %arg9[%mul3A_8, %dma_start3A] : memref<10240x128xf32, #tpu.memory_space<vmem_shared>> -> memref<128x128xf32, #tpu.memory_space<vmem_shared>>
      %dma_start3A_48 = arith.constant 0 : i32
      %dma_start3A_49 = tpu.memref_slice %arg9[%mul3A_8, %dma_start3A_48] : memref<10240x128xf32, #tpu.memory_space<vmem_shared>> -> memref<128x128xf32, #tpu.memory_space<vmem_shared>>
      tpu.enqueue_dma source(%arg8 : memref<128x128xf32, #tpu.memory_space<vmem>>) target(%dma_start3A_49 : memref<128x128xf32, #tpu.memory_space<vmem_shared>>) target_semaphore(%run_scoped3A : memref<!tpu.dma_semaphore, #tpu.memory_space<semaphore_mem>>)
      %dma_wait3A = arith.constant 0 : i32
      %dma_wait3A_50 = tpu.memref_slice %arg9[%mul3A_8, %dma_wait3A] : memref<10240x128xf32, #tpu.memory_space<vmem_shared>> -> memref<128x128xf32, #tpu.memory_space<vmem_shared>>
      %dma_wait3A_51 = arith.constant 0 : i32
      %dma_wait3A_52 = tpu.memref_slice %arg9[%mul3A_8, %dma_wait3A_51] : memref<10240x128xf32, #tpu.memory_space<vmem_shared>> -> memref<128x128xf32, #tpu.memory_space<vmem_shared>>
      tpu.wait_dma2 semaphore(%run_scoped3A : memref<!tpu.dma_semaphore, #tpu.memory_space<semaphore_mem>>) src(%arg8 : memref<128x128xf32, #tpu.memory_space<vmem>>) dst(%dma_wait3A_52 : memref<128x128xf32, #tpu.memory_space<vmem_shared>>)
      tpu.yield
    }) : () -> ()
    %mul3A_9 = arith.constant 5 : i32
    %mul3A_10 = arith.muli %arg1, %mul3A_9 : i32
    %add3A_11 = arith.constant 1 : i32
    %add3A_12 = arith.addi %mul3A_10, %add3A_11 : i32
    %mul3A_13 = arith.constant 128 : i32
    %mul3A_14 = arith.muli %add3A_12, %mul3A_13 : i32
    "tpu.region"() ({
      %run_scoped3A = tpu.sem_alloc : memref<!tpu.dma_semaphore, #tpu.memory_space<semaphore_mem>>
      %dma_start3A = arith.constant 0 : i32
      %dma_start3A_47 = tpu.memref_slice %arg9[%mul3A_14, %dma_start3A] : memref<10240x128xf32, #tpu.memory_space<vmem_shared>> -> memref<128x128xf32, #tpu.memory_space<vmem_shared>>
      %dma_start3A_48 = arith.constant 0 : i32
      %dma_start3A_49 = tpu.memref_slice %arg9[%mul3A_14, %dma_start3A_48] : memref<10240x128xf32, #tpu.memory_space<vmem_shared>> -> memref<128x128xf32, #tpu.memory_space<vmem_shared>>
      tpu.enqueue_dma source(%arg8 : memref<128x128xf32, #tpu.memory_space<vmem>>) target(%dma_start3A_49 : memref<128x128xf32, #tpu.memory_space<vmem_shared>>) target_semaphore(%run_scoped3A : memref<!tpu.dma_semaphore, #tpu.memory_space<semaphore_mem>>)
      %dma_wait3A = arith.constant 0 : i32
      %dma_wait3A_50 = tpu.memref_slice %arg9[%mul3A_14, %dma_wait3A] : memref<10240x128xf32, #tpu.memory_space<vmem_shared>> -> memref<128x128xf32, #tpu.memory_space<vmem_shared>>
      %dma_wait3A_51 = arith.constant 0 : i32
      %dma_wait3A_52 = tpu.memref_slice %arg9[%mul3A_14, %dma_wait3A_51] : memref<10240x128xf32, #tpu.memory_space<vmem_shared>> -> memref<128x128xf32, #tpu.memory_space<vmem_shared>>
      tpu.wait_dma2 semaphore(%run_scoped3A : memref<!tpu.dma_semaphore, #tpu.memory_space<semaphore_mem>>) src(%arg8 : memref<128x128xf32, #tpu.memory_space<vmem>>) dst(%dma_wait3A_52 : memref<128x128xf32, #tpu.memory_space<vmem_shared>>)
      tpu.yield
    }) : () -> ()
    %mul3A_15 = arith.constant 5 : i32
    %mul3A_16 = arith.muli %arg1, %mul3A_15 : i32
    %add3A_17 = arith.constant 2 : i32
    %add3A_18 = arith.addi %mul3A_16, %add3A_17 : i32
    %mul3A_19 = arith.constant 128 : i32
    %mul3A_20 = arith.muli %add3A_18, %mul3A_19 : i32
    "tpu.region"() ({
      %run_scoped3A = tpu.sem_alloc : memref<!tpu.dma_semaphore, #tpu.memory_space<semaphore_mem>>
      %dma_start3A = arith.constant 0 : i32
      %dma_start3A_47 = tpu.memref_slice %arg9[%mul3A_20, %dma_start3A] : memref<10240x128xf32, #tpu.memory_space<vmem_shared>> -> memref<128x128xf32, #tpu.memory_space<vmem_shared>>
      %dma_start3A_48 = arith.constant 0 : i32
      %dma_start3A_49 = tpu.memref_slice %arg9[%mul3A_20, %dma_start3A_48] : memref<10240x128xf32, #tpu.memory_space<vmem_shared>> -> memref<128x128xf32, #tpu.memory_space<vmem_shared>>
      tpu.enqueue_dma source(%arg8 : memref<128x128xf32, #tpu.memory_space<vmem>>) target(%dma_start3A_49 : memref<128x128xf32, #tpu.memory_space<vmem_shared>>) target_semaphore(%run_scoped3A : memref<!tpu.dma_semaphore, #tpu.memory_space<semaphore_mem>>)
      %dma_wait3A = arith.constant 0 : i32
      %dma_wait3A_50 = tpu.memref_slice %arg9[%mul3A_20, %dma_wait3A] : memref<10240x128xf32, #tpu.memory_space<vmem_shared>> -> memref<128x128xf32, #tpu.memory_space<vmem_shared>>
      %dma_wait3A_51 = arith.constant 0 : i32
      %dma_wait3A_52 = tpu.memref_slice %arg9[%mul3A_20, %dma_wait3A_51] : memref<10240x128xf32, #tpu.memory_space<vmem_shared>> -> memref<128x128xf32, #tpu.memory_space<vmem_shared>>
      tpu.wait_dma2 semaphore(%run_scoped3A : memref<!tpu.dma_semaphore, #tpu.memory_space<semaphore_mem>>) src(%arg8 : memref<128x128xf32, #tpu.memory_space<vmem>>) dst(%dma_wait3A_52 : memref<128x128xf32, #tpu.memory_space<vmem_shared>>)
      tpu.yield
    }) : () -> ()
    %mul3A_21 = arith.constant 5 : i32
    %mul3A_22 = arith.muli %arg1, %mul3A_21 : i32
    %add3A_23 = arith.constant 3 : i32
    %add3A_24 = arith.addi %mul3A_22, %add3A_23 : i32
    %mul3A_25 = arith.constant 128 : i32
    %mul3A_26 = arith.muli %add3A_24, %mul3A_25 : i32
    "tpu.region"() ({
      %run_scoped3A = tpu.sem_alloc : memref<!tpu.dma_semaphore, #tpu.memory_space<semaphore_mem>>
      %dma_start3A = arith.constant 0 : i32
      %dma_start3A_47 = tpu.memref_slice %arg9[%mul3A_26, %dma_start3A] : memref<10240x128xf32, #tpu.memory_space<vmem_shared>> -> memref<128x128xf32, #tpu.memory_space<vmem_shared>>
      %dma_start3A_48 = arith.constant 0 : i32
      %dma_start3A_49 = tpu.memref_slice %arg9[%mul3A_26, %dma_start3A_48] : memref<10240x128xf32, #tpu.memory_space<vmem_shared>> -> memref<128x128xf32, #tpu.memory_space<vmem_shared>>
      tpu.enqueue_dma source(%arg8 : memref<128x128xf32, #tpu.memory_space<vmem>>) target(%dma_start3A_49 : memref<128x128xf32, #tpu.memory_space<vmem_shared>>) target_semaphore(%run_scoped3A : memref<!tpu.dma_semaphore, #tpu.memory_space<semaphore_mem>>)
      %dma_wait3A = arith.constant 0 : i32
      %dma_wait3A_50 = tpu.memref_slice %arg9[%mul3A_26, %dma_wait3A] : memref<10240x128xf32, #tpu.memory_space<vmem_shared>> -> memref<128x128xf32, #tpu.memory_space<vmem_shared>>
      %dma_wait3A_51 = arith.constant 0 : i32
      %dma_wait3A_52 = tpu.memref_slice %arg9[%mul3A_26, %dma_wait3A_51] : memref<10240x128xf32, #tpu.memory_space<vmem_shared>> -> memref<128x128xf32, #tpu.memory_space<vmem_shared>>
      tpu.wait_dma2 semaphore(%run_scoped3A : memref<!tpu.dma_semaphore, #tpu.memory_space<semaphore_mem>>) src(%arg8 : memref<128x128xf32, #tpu.memory_space<vmem>>) dst(%dma_wait3A_52 : memref<128x128xf32, #tpu.memory_space<vmem_shared>>)
      tpu.yield
    }) : () -> ()
    %mul3A_27 = arith.constant 5 : i32
    %mul3A_28 = arith.muli %arg1, %mul3A_27 : i32
    %add3A_29 = arith.constant 4 : i32
    %add3A_30 = arith.addi %mul3A_28, %add3A_29 : i32
    %mul3A_31 = arith.constant 128 : i32
    %mul3A_32 = arith.muli %add3A_30, %mul3A_31 : i32
    "tpu.region"() ({
      %run_scoped3A = tpu.sem_alloc : memref<!tpu.dma_semaphore, #tpu.memory_space<semaphore_mem>>
      %dma_start3A = arith.constant 0 : i32
      %dma_start3A_47 = tpu.memref_slice %arg9[%mul3A_32, %dma_start3A] : memref<10240x128xf32, #tpu.memory_space<vmem_shared>> -> memref<128x128xf32, #tpu.memory_space<vmem_shared>>
      %dma_start3A_48 = arith.constant 0 : i32
      %dma_start3A_49 = tpu.memref_slice %arg9[%mul3A_32, %dma_start3A_48] : memref<10240x128xf32, #tpu.memory_space<vmem_shared>> -> memref<128x128xf32, #tpu.memory_space<vmem_shared>>
      tpu.enqueue_dma source(%arg8 : memref<128x128xf32, #tpu.memory_space<vmem>>) target(%dma_start3A_49 : memref<128x128xf32, #tpu.memory_space<vmem_shared>>) target_semaphore(%run_scoped3A : memref<!tpu.dma_semaphore, #tpu.memory_space<semaphore_mem>>)
      %dma_wait3A = arith.constant 0 : i32
      %dma_wait3A_50 = tpu.memref_slice %arg9[%mul3A_32, %dma_wait3A] : memref<10240x128xf32, #tpu.memory_space<vmem_shared>> -> memref<128x128xf32, #tpu.memory_space<vmem_shared>>
      %dma_wait3A_51 = arith.constant 0 : i32
      %dma_wait3A_52 = tpu.memref_slice %arg9[%mul3A_32, %dma_wait3A_51] : memref<10240x128xf32, #tpu.memory_space<vmem_shared>> -> memref<128x128xf32, #tpu.memory_space<vmem_shared>>
      tpu.wait_dma2 semaphore(%run_scoped3A : memref<!tpu.dma_semaphore, #tpu.memory_space<semaphore_mem>>) src(%arg8 : memref<128x128xf32, #tpu.memory_space<vmem>>) dst(%dma_wait3A_52 : memref<128x128xf32, #tpu.memory_space<vmem_shared>>)
      tpu.yield
    }) : () -> ()
    %barrier3A = arith.constant 0 : index
    tpu.barrier barrier_id(%barrier3A)
    %mul3A_33 = arith.constant 16 : i32
    %mul3A_34 = arith.muli %arg0, %mul3A_33 : i32
    %add3A_35 = arith.addi %mul3A_34, %arg1 : i32
    %mul3A_36 = arith.constant 10112 : i32
    %mul3A_37 = arith.muli %add3A_35, %mul3A_36 : i32
    %scan3A_38 = arith.constant 0 : i32
    %scan3A_39 = arith.constant 0 : i32
    %scan3A_40 = arith.constant 79 : i32
    %scan3A_41 = arith.addi %scan3A_39, %scan3A_40 : i32
    %scan3A_42 = arith.constant 1 : i32
    scf.for %scan3A_47 = %scan3A_39 to %scan3A_41 step %scan3A_42  : i32 {
      %mul3A_48 = arith.constant 128 : i32
      %mul3A_49 = arith.muli %scan3A_47, %mul3A_48 : i32
      %add3A_50 = arith.addi %mul3A_37, %mul3A_49 : i32
      "tpu.region"() ({
        %run_scoped3A = tpu.sem_alloc : memref<!tpu.dma_semaphore, #tpu.memory_space<semaphore_mem>>
        %dma_start3A_55 = tpu.memref_slice %arg3[%add3A_50] : memref<323584xi32, #tpu.memory_space<hbm>> -> memref<128xi32, #tpu.memory_space<hbm>>
        %dma_start3A_56 = tpu.memref_slice %arg3[%add3A_50] : memref<323584xi32, #tpu.memory_space<hbm>> -> memref<128xi32, #tpu.memory_space<hbm>>
        tpu.enqueue_dma source(%dma_start3A_56 : memref<128xi32, #tpu.memory_space<hbm>>) target(%arg6 : memref<128xi32, #tpu.memory_space<vmem>>) target_semaphore(%run_scoped3A : memref<!tpu.dma_semaphore, #tpu.memory_space<semaphore_mem>>)
        %dma_wait3A_57 = tpu.memref_slice %arg3[%add3A_50] : memref<323584xi32, #tpu.memory_space<hbm>> -> memref<128xi32, #tpu.memory_space<hbm>>
        %dma_wait3A_58 = tpu.memref_slice %arg3[%add3A_50] : memref<323584xi32, #tpu.memory_space<hbm>> -> memref<128xi32, #tpu.memory_space<hbm>>
        tpu.wait_dma2 semaphore(%run_scoped3A : memref<!tpu.dma_semaphore, #tpu.memory_space<semaphore_mem>>) src(%dma_wait3A_58 : memref<128xi32, #tpu.memory_space<hbm>>) dst(%arg6 : memref<128xi32, #tpu.memory_space<vmem>>)
        tpu.yield
      }) : () -> ()
      "tpu.region"() ({
        %run_scoped3A = tpu.sem_alloc : memref<!tpu.dma_semaphore, #tpu.memory_space<semaphore_mem>>
        %dma_start3A_55 = tpu.memref_slice %arg4[%add3A_50] : memref<323584xi32, #tpu.memory_space<hbm>> -> memref<128xi32, #tpu.memory_space<hbm>>
        %dma_start3A_56 = tpu.memref_slice %arg4[%add3A_50] : memref<323584xi32, #tpu.memory_space<hbm>> -> memref<128xi32, #tpu.memory_space<hbm>>
        tpu.enqueue_dma source(%dma_start3A_56 : memref<128xi32, #tpu.memory_space<hbm>>) target(%arg7 : memref<128xi32, #tpu.memory_space<vmem>>) target_semaphore(%run_scoped3A : memref<!tpu.dma_semaphore, #tpu.memory_space<semaphore_mem>>)
        %dma_wait3A_57 = tpu.memref_slice %arg4[%add3A_50] : memref<323584xi32, #tpu.memory_space<hbm>> -> memref<128xi32, #tpu.memory_space<hbm>>
        %dma_wait3A_58 = tpu.memref_slice %arg4[%add3A_50] : memref<323584xi32, #tpu.memory_space<hbm>> -> memref<128xi32, #tpu.memory_space<hbm>>
        tpu.wait_dma2 semaphore(%run_scoped3A : memref<!tpu.dma_semaphore, #tpu.memory_space<semaphore_mem>>) src(%dma_wait3A_58 : memref<128xi32, #tpu.memory_space<hbm>>) dst(%arg7 : memref<128xi32, #tpu.memory_space<vmem>>)
        tpu.yield
      }) : () -> ()
      %dma_start3A = arith.constant 0 : i32
      %dma_start3A_51 = arith.constant 0 : i32
      %dma_start3A_52 = tpu.memref_slice %arg2[%dma_start3A, %dma_start3A_51] : memref<10240x128xf32, #tpu.memory_space<hbm>> -> memref<10240x128xf32, #tpu.memory_space<hbm>>
      tpu.enqueue_indirect_dma source(%dma_start3A_52 : memref<10240x128xf32, #tpu.memory_space<hbm>>) target(%arg8 : memref<128x128xf32, #tpu.memory_space<vmem>>) offsets(%arg6 : memref<128xi32, #tpu.memory_space<vmem>>) semaphore(%arg10 : memref<!tpu.dma_semaphore, #tpu.memory_space<semaphore_mem>>)
      %dma_wait3A = arith.constant 0 : i32
      %dma_wait3A_53 = arith.constant 0 : i32
      %dma_wait3A_54 = tpu.memref_slice %arg2[%dma_wait3A, %dma_wait3A_53] : memref<10240x128xf32, #tpu.memory_space<hbm>> -> memref<10240x128xf32, #tpu.memory_space<hbm>>
      tpu.wait_indirect_dma semaphore(%arg10 : memref<!tpu.dma_semaphore, #tpu.memory_space<semaphore_mem>>) src(%dma_wait3A_54 : memref<10240x128xf32, #tpu.memory_space<hbm>>) dst(%arg8 : memref<128x128xf32, #tpu.memory_space<vmem>>)
      "tpu.region"() ({
        %run_scoped3A = tpu.sem_alloc : memref<!tpu.dma_semaphore, #tpu.memory_space<semaphore_mem>>
        %dma_start3A_55 = arith.constant 0 : i32
        %dma_start3A_56 = arith.constant 0 : i32
        %dma_start3A_57 = tpu.memref_slice %arg9[%dma_start3A_55, %dma_start3A_56] : memref<10240x128xf32, #tpu.memory_space<vmem_shared>> -> memref<10240x128xf32, #tpu.memory_space<vmem_shared>>
        tpu.enqueue_indirect_dma source(%arg8 : memref<128x128xf32, #tpu.memory_space<vmem>>) target(%dma_start3A_57 : memref<10240x128xf32, #tpu.memory_space<vmem_shared>>) offsets(%arg7 : memref<128xi32, #tpu.memory_space<vmem>>) semaphore(%run_scoped3A : memref<!tpu.dma_semaphore, #tpu.memory_space<semaphore_mem>>) {add = true}
        %dma_wait3A_58 = arith.constant 0 : i32
        %dma_wait3A_59 = arith.constant 0 : i32
        %dma_wait3A_60 = tpu.memref_slice %arg9[%dma_wait3A_58, %dma_wait3A_59] : memref<10240x128xf32, #tpu.memory_space<vmem_shared>> -> memref<10240x128xf32, #tpu.memory_space<vmem_shared>>
        tpu.wait_indirect_dma semaphore(%run_scoped3A : memref<!tpu.dma_semaphore, #tpu.memory_space<semaphore_mem>>) src(%arg8 : memref<128x128xf32, #tpu.memory_space<vmem>>) dst(%dma_wait3A_60 : memref<10240x128xf32, #tpu.memory_space<vmem_shared>>)
        tpu.yield
      }) : () -> ()
    }
    %scan3A_43 = arith.constant 79 : i32
    %barrier3A_44 = arith.constant 0 : index
    tpu.barrier barrier_id(%barrier3A_44)
    %mul3A_45 = arith.constant 640 : i32
    %mul3A_46 = arith.muli %arg1, %mul3A_45 : i32
    "tpu.region"() ({
      %run_scoped3A = tpu.sem_alloc : memref<!tpu.dma_semaphore, #tpu.memory_space<semaphore_mem>>
      %dma_start3A = arith.constant 0 : i32
      %dma_start3A_47 = tpu.memref_slice %arg5[%arg0, %mul3A_46, %dma_start3A] : memref<2x10240x128xf32, #tpu.memory_space<hbm>> -> memref<1x640x128xf32, #tpu.memory_space<hbm>>
      %dma_start3A_48 = tpu.memref_squeeze %dma_start3A_47 : memref<1x640x128xf32, #tpu.memory_space<hbm>> -> memref<640x128xf32, #tpu.memory_space<hbm>>
      %dma_start3A_49 = arith.constant 0 : i32
      %dma_start3A_50 = tpu.memref_slice %arg9[%mul3A_46, %dma_start3A_49] : memref<10240x128xf32, #tpu.memory_space<vmem_shared>> -> memref<640x128xf32, #tpu.memory_space<vmem_shared>>
      tpu.enqueue_dma source(%dma_start3A_50 : memref<640x128xf32, #tpu.memory_space<vmem_shared>>) target(%dma_start3A_48 : memref<640x128xf32, #tpu.memory_space<hbm>>) target_semaphore(%run_scoped3A : memref<!tpu.dma_semaphore, #tpu.memory_space<semaphore_mem>>)
      %dma_wait3A = arith.constant 0 : i32
      %dma_wait3A_51 = tpu.memref_slice %arg5[%arg0, %mul3A_46, %dma_wait3A] : memref<2x10240x128xf32, #tpu.memory_space<hbm>> -> memref<1x640x128xf32, #tpu.memory_space<hbm>>
      %dma_wait3A_52 = tpu.memref_squeeze %dma_wait3A_51 : memref<1x640x128xf32, #tpu.memory_space<hbm>> -> memref<640x128xf32, #tpu.memory_space<hbm>>
      %dma_wait3A_53 = arith.constant 0 : i32
      %dma_wait3A_54 = tpu.memref_slice %arg9[%mul3A_46, %dma_wait3A_53] : memref<10240x128xf32, #tpu.memory_space<vmem_shared>> -> memref<640x128xf32, #tpu.memory_space<vmem_shared>>
      tpu.wait_dma2 semaphore(%run_scoped3A : memref<!tpu.dma_semaphore, #tpu.memory_space<semaphore_mem>>) src(%dma_wait3A_54 : memref<640x128xf32, #tpu.memory_space<vmem_shared>>) dst(%dma_wait3A_52 : memref<640x128xf32, #tpu.memory_space<hbm>>)
      tpu.yield
    }) : () -> ()
    return
  }
}

#map = affine_map<(d0, d1) -> (0)>
#map1 = affine_map<(d0, d1) -> (0, 0, 0)>
module attributes {stable_mosaic.version = 14 : i64} {
  func.func @_degcount(%arg0: i32, %arg1: i32, %arg2: memref<323584xi32, #tpu.memory_space<hbm>>, %arg3: memref<2x10240x128xf32, #tpu.memory_space<hbm>>, %arg4: memref<128xi32, #tpu.memory_space<vmem>>, %arg5: memref<128x128xf32, #tpu.memory_space<vmem>>, %arg6: memref<10240x128xf32, #tpu.memory_space<vmem_shared>>, %arg7: memref<!tpu.dma_semaphore, #tpu.memory_space<semaphore_mem>>) attributes {dimension_semantics = [#tpu.dimension_semantics<core_parallel>, #tpu.dimension_semantics<subcore_parallel>], iteration_bounds = array<i64: 2, 16>, scalar_prefetch = 0 : i64, scratch_operands = 4 : i64, tpu.core_type = #tpu.core_type<sc_vector_subcore>, window_params = [{transform_indices = #map}, {transform_indices = #map1}]} {
    %scan3A = arith.constant 0 : i32
    %scan3A_0 = arith.constant 0 : i32
    %scan3A_1 = arith.constant 128 : i32
    %scan3A_2 = arith.addi %scan3A_0, %scan3A_1 : i32
    %scan3A_3 = arith.constant 1 : i32
    scf.for %scan3A_53 = %scan3A_0 to %scan3A_2 step %scan3A_3  : i32 {
      %broadcast_in_dim3A = arith.constant 0.000000e+00 : f32
      %broadcast_in_dim3A_54 = vector.broadcast %broadcast_in_dim3A : f32 to vector<16xf32>
      %swap3A = arith.index_cast %scan3A_53 : i32 to index
      %swap3A_55 = arith.constant 0 : index
      %swap3A_56 = tpu.vector_load %arg5[%swap3A, %swap3A_55] {strides = array<i32>} : memref<128x128xf32, #tpu.memory_space<vmem>>, vector<1x16xf32>,
      %swap3A_57 = vector.shape_cast %swap3A_56 : vector<1x16xf32> to vector<16xf32>
      %swap3A_58 = vector.shape_cast %broadcast_in_dim3A_54 : vector<16xf32> to vector<1x16xf32>
      tpu.vector_store %arg5[%swap3A, %swap3A_55], %swap3A_58 {strides = array<i32>} : memref<128x128xf32, #tpu.memory_space<vmem>>, vector<1x16xf32>,
      %broadcast_in_dim3A_59 = arith.constant 0.000000e+00 : f32
      %broadcast_in_dim3A_60 = vector.broadcast %broadcast_in_dim3A_59 : f32 to vector<16xf32>
      %swap3A_61 = arith.index_cast %scan3A_53 : i32 to index
      %swap3A_62 = arith.constant 16 : index
      %swap3A_63 = tpu.vector_load %arg5[%swap3A_61, %swap3A_62] {strides = array<i32>} : memref<128x128xf32, #tpu.memory_space<vmem>>, vector<1x16xf32>,
      %swap3A_64 = vector.shape_cast %swap3A_63 : vector<1x16xf32> to vector<16xf32>
      %swap3A_65 = vector.shape_cast %broadcast_in_dim3A_60 : vector<16xf32> to vector<1x16xf32>
      tpu.vector_store %arg5[%swap3A_61, %swap3A_62], %swap3A_65 {strides = array<i32>} : memref<128x128xf32, #tpu.memory_space<vmem>>, vector<1x16xf32>,
      %broadcast_in_dim3A_66 = arith.constant 0.000000e+00 : f32
      %broadcast_in_dim3A_67 = vector.broadcast %broadcast_in_dim3A_66 : f32 to vector<16xf32>
      %swap3A_68 = arith.index_cast %scan3A_53 : i32 to index
      %swap3A_69 = arith.constant 32 : index
      %swap3A_70 = tpu.vector_load %arg5[%swap3A_68, %swap3A_69] {strides = array<i32>} : memref<128x128xf32, #tpu.memory_space<vmem>>, vector<1x16xf32>,
      %swap3A_71 = vector.shape_cast %swap3A_70 : vector<1x16xf32> to vector<16xf32>
      %swap3A_72 = vector.shape_cast %broadcast_in_dim3A_67 : vector<16xf32> to vector<1x16xf32>
      tpu.vector_store %arg5[%swap3A_68, %swap3A_69], %swap3A_72 {strides = array<i32>} : memref<128x128xf32, #tpu.memory_space<vmem>>, vector<1x16xf32>,
      %broadcast_in_dim3A_73 = arith.constant 0.000000e+00 : f32
      %broadcast_in_dim3A_74 = vector.broadcast %broadcast_in_dim3A_73 : f32 to vector<16xf32>
      %swap3A_75 = arith.index_cast %scan3A_53 : i32 to index
      %swap3A_76 = arith.constant 48 : index
      %swap3A_77 = tpu.vector_load %arg5[%swap3A_75, %swap3A_76] {strides = array<i32>} : memref<128x128xf32, #tpu.memory_space<vmem>>, vector<1x16xf32>,
      %swap3A_78 = vector.shape_cast %swap3A_77 : vector<1x16xf32> to vector<16xf32>
      %swap3A_79 = vector.shape_cast %broadcast_in_dim3A_74 : vector<16xf32> to vector<1x16xf32>
      tpu.vector_store %arg5[%swap3A_75, %swap3A_76], %swap3A_79 {strides = array<i32>} : memref<128x128xf32, #tpu.memory_space<vmem>>, vector<1x16xf32>,
      %broadcast_in_dim3A_80 = arith.constant 0.000000e+00 : f32
      %broadcast_in_dim3A_81 = vector.broadcast %broadcast_in_dim3A_80 : f32 to vector<16xf32>
      %swap3A_82 = arith.index_cast %scan3A_53 : i32 to index
      %swap3A_83 = arith.constant 64 : index
      %swap3A_84 = tpu.vector_load %arg5[%swap3A_82, %swap3A_83] {strides = array<i32>} : memref<128x128xf32, #tpu.memory_space<vmem>>, vector<1x16xf32>,
      %swap3A_85 = vector.shape_cast %swap3A_84 : vector<1x16xf32> to vector<16xf32>
      %swap3A_86 = vector.shape_cast %broadcast_in_dim3A_81 : vector<16xf32> to vector<1x16xf32>
      tpu.vector_store %arg5[%swap3A_82, %swap3A_83], %swap3A_86 {strides = array<i32>} : memref<128x128xf32, #tpu.memory_space<vmem>>, vector<1x16xf32>,
      %broadcast_in_dim3A_87 = arith.constant 0.000000e+00 : f32
      %broadcast_in_dim3A_88 = vector.broadcast %broadcast_in_dim3A_87 : f32 to vector<16xf32>
      %swap3A_89 = arith.index_cast %scan3A_53 : i32 to index
      %swap3A_90 = arith.constant 80 : index
      %swap3A_91 = tpu.vector_load %arg5[%swap3A_89, %swap3A_90] {strides = array<i32>} : memref<128x128xf32, #tpu.memory_space<vmem>>, vector<1x16xf32>,
      %swap3A_92 = vector.shape_cast %swap3A_91 : vector<1x16xf32> to vector<16xf32>
      %swap3A_93 = vector.shape_cast %broadcast_in_dim3A_88 : vector<16xf32> to vector<1x16xf32>
      tpu.vector_store %arg5[%swap3A_89, %swap3A_90], %swap3A_93 {strides = array<i32>} : memref<128x128xf32, #tpu.memory_space<vmem>>, vector<1x16xf32>,
      %broadcast_in_dim3A_94 = arith.constant 0.000000e+00 : f32
      %broadcast_in_dim3A_95 = vector.broadcast %broadcast_in_dim3A_94 : f32 to vector<16xf32>
      %swap3A_96 = arith.index_cast %scan3A_53 : i32 to index
      %swap3A_97 = arith.constant 96 : index
      %swap3A_98 = tpu.vector_load %arg5[%swap3A_96, %swap3A_97] {strides = array<i32>} : memref<128x128xf32, #tpu.memory_space<vmem>>, vector<1x16xf32>,
      %swap3A_99 = vector.shape_cast %swap3A_98 : vector<1x16xf32> to vector<16xf32>
      %swap3A_100 = vector.shape_cast %broadcast_in_dim3A_95 : vector<16xf32> to vector<1x16xf32>
      tpu.vector_store %arg5[%swap3A_96, %swap3A_97], %swap3A_100 {strides = array<i32>} : memref<128x128xf32, #tpu.memory_space<vmem>>, vector<1x16xf32>,
      %broadcast_in_dim3A_101 = arith.constant 0.000000e+00 : f32
      %broadcast_in_dim3A_102 = vector.broadcast %broadcast_in_dim3A_101 : f32 to vector<16xf32>
      %swap3A_103 = arith.index_cast %scan3A_53 : i32 to index
      %swap3A_104 = arith.constant 112 : index
      %swap3A_105 = tpu.vector_load %arg5[%swap3A_103, %swap3A_104] {strides = array<i32>} : memref<128x128xf32, #tpu.memory_space<vmem>>, vector<1x16xf32>,
      %swap3A_106 = vector.shape_cast %swap3A_105 : vector<1x16xf32> to vector<16xf32>
      %swap3A_107 = vector.shape_cast %broadcast_in_dim3A_102 : vector<16xf32> to vector<1x16xf32>
      tpu.vector_store %arg5[%swap3A_103, %swap3A_104], %swap3A_107 {strides = array<i32>} : memref<128x128xf32, #tpu.memory_space<vmem>>, vector<1x16xf32>,
    }
    %scan3A_4 = arith.constant 128 : i32
    %mul3A = arith.constant 5 : i32
    %mul3A_5 = arith.muli %arg1, %mul3A : i32
    %add3A = arith.constant 0 : i32
    %add3A_6 = arith.addi %mul3A_5, %add3A : i32
    %mul3A_7 = arith.constant 128 : i32
    %mul3A_8 = arith.muli %add3A_6, %mul3A_7 : i32
    "tpu.region"() ({
      %run_scoped3A = tpu.sem_alloc : memref<!tpu.dma_semaphore, #tpu.memory_space<semaphore_mem>>
      %dma_start3A = arith.constant 0 : i32
      %dma_start3A_53 = tpu.memref_slice %arg6[%mul3A_8, %dma_start3A] : memref<10240x128xf32, #tpu.memory_space<vmem_shared>> -> memref<128x128xf32, #tpu.memory_space<vmem_shared>>
      %dma_start3A_54 = arith.constant 0 : i32
      %dma_start3A_55 = tpu.memref_slice %arg6[%mul3A_8, %dma_start3A_54] : memref<10240x128xf32, #tpu.memory_space<vmem_shared>> -> memref<128x128xf32, #tpu.memory_space<vmem_shared>>
      tpu.enqueue_dma source(%arg5 : memref<128x128xf32, #tpu.memory_space<vmem>>) target(%dma_start3A_55 : memref<128x128xf32, #tpu.memory_space<vmem_shared>>) target_semaphore(%run_scoped3A : memref<!tpu.dma_semaphore, #tpu.memory_space<semaphore_mem>>)
      %dma_wait3A = arith.constant 0 : i32
      %dma_wait3A_56 = tpu.memref_slice %arg6[%mul3A_8, %dma_wait3A] : memref<10240x128xf32, #tpu.memory_space<vmem_shared>> -> memref<128x128xf32, #tpu.memory_space<vmem_shared>>
      %dma_wait3A_57 = arith.constant 0 : i32
      %dma_wait3A_58 = tpu.memref_slice %arg6[%mul3A_8, %dma_wait3A_57] : memref<10240x128xf32, #tpu.memory_space<vmem_shared>> -> memref<128x128xf32, #tpu.memory_space<vmem_shared>>
      tpu.wait_dma2 semaphore(%run_scoped3A : memref<!tpu.dma_semaphore, #tpu.memory_space<semaphore_mem>>) src(%arg5 : memref<128x128xf32, #tpu.memory_space<vmem>>) dst(%dma_wait3A_58 : memref<128x128xf32, #tpu.memory_space<vmem_shared>>)
      tpu.yield
    }) : () -> ()
    %mul3A_9 = arith.constant 5 : i32
    %mul3A_10 = arith.muli %arg1, %mul3A_9 : i32
    %add3A_11 = arith.constant 1 : i32
    %add3A_12 = arith.addi %mul3A_10, %add3A_11 : i32
    %mul3A_13 = arith.constant 128 : i32
    %mul3A_14 = arith.muli %add3A_12, %mul3A_13 : i32
    "tpu.region"() ({
      %run_scoped3A = tpu.sem_alloc : memref<!tpu.dma_semaphore, #tpu.memory_space<semaphore_mem>>
      %dma_start3A = arith.constant 0 : i32
      %dma_start3A_53 = tpu.memref_slice %arg6[%mul3A_14, %dma_start3A] : memref<10240x128xf32, #tpu.memory_space<vmem_shared>> -> memref<128x128xf32, #tpu.memory_space<vmem_shared>>
      %dma_start3A_54 = arith.constant 0 : i32
      %dma_start3A_55 = tpu.memref_slice %arg6[%mul3A_14, %dma_start3A_54] : memref<10240x128xf32, #tpu.memory_space<vmem_shared>> -> memref<128x128xf32, #tpu.memory_space<vmem_shared>>
      tpu.enqueue_dma source(%arg5 : memref<128x128xf32, #tpu.memory_space<vmem>>) target(%dma_start3A_55 : memref<128x128xf32, #tpu.memory_space<vmem_shared>>) target_semaphore(%run_scoped3A : memref<!tpu.dma_semaphore, #tpu.memory_space<semaphore_mem>>)
      %dma_wait3A = arith.constant 0 : i32
      %dma_wait3A_56 = tpu.memref_slice %arg6[%mul3A_14, %dma_wait3A] : memref<10240x128xf32, #tpu.memory_space<vmem_shared>> -> memref<128x128xf32, #tpu.memory_space<vmem_shared>>
      %dma_wait3A_57 = arith.constant 0 : i32
      %dma_wait3A_58 = tpu.memref_slice %arg6[%mul3A_14, %dma_wait3A_57] : memref<10240x128xf32, #tpu.memory_space<vmem_shared>> -> memref<128x128xf32, #tpu.memory_space<vmem_shared>>
      tpu.wait_dma2 semaphore(%run_scoped3A : memref<!tpu.dma_semaphore, #tpu.memory_space<semaphore_mem>>) src(%arg5 : memref<128x128xf32, #tpu.memory_space<vmem>>) dst(%dma_wait3A_58 : memref<128x128xf32, #tpu.memory_space<vmem_shared>>)
      tpu.yield
    }) : () -> ()
    %mul3A_15 = arith.constant 5 : i32
    %mul3A_16 = arith.muli %arg1, %mul3A_15 : i32
    %add3A_17 = arith.constant 2 : i32
    %add3A_18 = arith.addi %mul3A_16, %add3A_17 : i32
    %mul3A_19 = arith.constant 128 : i32
    %mul3A_20 = arith.muli %add3A_18, %mul3A_19 : i32
    "tpu.region"() ({
      %run_scoped3A = tpu.sem_alloc : memref<!tpu.dma_semaphore, #tpu.memory_space<semaphore_mem>>
      %dma_start3A = arith.constant 0 : i32
      %dma_start3A_53 = tpu.memref_slice %arg6[%mul3A_20, %dma_start3A] : memref<10240x128xf32, #tpu.memory_space<vmem_shared>> -> memref<128x128xf32, #tpu.memory_space<vmem_shared>>
      %dma_start3A_54 = arith.constant 0 : i32
      %dma_start3A_55 = tpu.memref_slice %arg6[%mul3A_20, %dma_start3A_54] : memref<10240x128xf32, #tpu.memory_space<vmem_shared>> -> memref<128x128xf32, #tpu.memory_space<vmem_shared>>
      tpu.enqueue_dma source(%arg5 : memref<128x128xf32, #tpu.memory_space<vmem>>) target(%dma_start3A_55 : memref<128x128xf32, #tpu.memory_space<vmem_shared>>) target_semaphore(%run_scoped3A : memref<!tpu.dma_semaphore, #tpu.memory_space<semaphore_mem>>)
      %dma_wait3A = arith.constant 0 : i32
      %dma_wait3A_56 = tpu.memref_slice %arg6[%mul3A_20, %dma_wait3A] : memref<10240x128xf32, #tpu.memory_space<vmem_shared>> -> memref<128x128xf32, #tpu.memory_space<vmem_shared>>
      %dma_wait3A_57 = arith.constant 0 : i32
      %dma_wait3A_58 = tpu.memref_slice %arg6[%mul3A_20, %dma_wait3A_57] : memref<10240x128xf32, #tpu.memory_space<vmem_shared>> -> memref<128x128xf32, #tpu.memory_space<vmem_shared>>
      tpu.wait_dma2 semaphore(%run_scoped3A : memref<!tpu.dma_semaphore, #tpu.memory_space<semaphore_mem>>) src(%arg5 : memref<128x128xf32, #tpu.memory_space<vmem>>) dst(%dma_wait3A_58 : memref<128x128xf32, #tpu.memory_space<vmem_shared>>)
      tpu.yield
    }) : () -> ()
    %mul3A_21 = arith.constant 5 : i32
    %mul3A_22 = arith.muli %arg1, %mul3A_21 : i32
    %add3A_23 = arith.constant 3 : i32
    %add3A_24 = arith.addi %mul3A_22, %add3A_23 : i32
    %mul3A_25 = arith.constant 128 : i32
    %mul3A_26 = arith.muli %add3A_24, %mul3A_25 : i32
    "tpu.region"() ({
      %run_scoped3A = tpu.sem_alloc : memref<!tpu.dma_semaphore, #tpu.memory_space<semaphore_mem>>
      %dma_start3A = arith.constant 0 : i32
      %dma_start3A_53 = tpu.memref_slice %arg6[%mul3A_26, %dma_start3A] : memref<10240x128xf32, #tpu.memory_space<vmem_shared>> -> memref<128x128xf32, #tpu.memory_space<vmem_shared>>
      %dma_start3A_54 = arith.constant 0 : i32
      %dma_start3A_55 = tpu.memref_slice %arg6[%mul3A_26, %dma_start3A_54] : memref<10240x128xf32, #tpu.memory_space<vmem_shared>> -> memref<128x128xf32, #tpu.memory_space<vmem_shared>>
      tpu.enqueue_dma source(%arg5 : memref<128x128xf32, #tpu.memory_space<vmem>>) target(%dma_start3A_55 : memref<128x128xf32, #tpu.memory_space<vmem_shared>>) target_semaphore(%run_scoped3A : memref<!tpu.dma_semaphore, #tpu.memory_space<semaphore_mem>>)
      %dma_wait3A = arith.constant 0 : i32
      %dma_wait3A_56 = tpu.memref_slice %arg6[%mul3A_26, %dma_wait3A] : memref<10240x128xf32, #tpu.memory_space<vmem_shared>> -> memref<128x128xf32, #tpu.memory_space<vmem_shared>>
      %dma_wait3A_57 = arith.constant 0 : i32
      %dma_wait3A_58 = tpu.memref_slice %arg6[%mul3A_26, %dma_wait3A_57] : memref<10240x128xf32, #tpu.memory_space<vmem_shared>> -> memref<128x128xf32, #tpu.memory_space<vmem_shared>>
      tpu.wait_dma2 semaphore(%run_scoped3A : memref<!tpu.dma_semaphore, #tpu.memory_space<semaphore_mem>>) src(%arg5 : memref<128x128xf32, #tpu.memory_space<vmem>>) dst(%dma_wait3A_58 : memref<128x128xf32, #tpu.memory_space<vmem_shared>>)
      tpu.yield
    }) : () -> ()
    %mul3A_27 = arith.constant 5 : i32
    %mul3A_28 = arith.muli %arg1, %mul3A_27 : i32
    %add3A_29 = arith.constant 4 : i32
    %add3A_30 = arith.addi %mul3A_28, %add3A_29 : i32
    %mul3A_31 = arith.constant 128 : i32
    %mul3A_32 = arith.muli %add3A_30, %mul3A_31 : i32
    "tpu.region"() ({
      %run_scoped3A = tpu.sem_alloc : memref<!tpu.dma_semaphore, #tpu.memory_space<semaphore_mem>>
      %dma_start3A = arith.constant 0 : i32
      %dma_start3A_53 = tpu.memref_slice %arg6[%mul3A_32, %dma_start3A] : memref<10240x128xf32, #tpu.memory_space<vmem_shared>> -> memref<128x128xf32, #tpu.memory_space<vmem_shared>>
      %dma_start3A_54 = arith.constant 0 : i32
      %dma_start3A_55 = tpu.memref_slice %arg6[%mul3A_32, %dma_start3A_54] : memref<10240x128xf32, #tpu.memory_space<vmem_shared>> -> memref<128x128xf32, #tpu.memory_space<vmem_shared>>
      tpu.enqueue_dma source(%arg5 : memref<128x128xf32, #tpu.memory_space<vmem>>) target(%dma_start3A_55 : memref<128x128xf32, #tpu.memory_space<vmem_shared>>) target_semaphore(%run_scoped3A : memref<!tpu.dma_semaphore, #tpu.memory_space<semaphore_mem>>)
      %dma_wait3A = arith.constant 0 : i32
      %dma_wait3A_56 = tpu.memref_slice %arg6[%mul3A_32, %dma_wait3A] : memref<10240x128xf32, #tpu.memory_space<vmem_shared>> -> memref<128x128xf32, #tpu.memory_space<vmem_shared>>
      %dma_wait3A_57 = arith.constant 0 : i32
      %dma_wait3A_58 = tpu.memref_slice %arg6[%mul3A_32, %dma_wait3A_57] : memref<10240x128xf32, #tpu.memory_space<vmem_shared>> -> memref<128x128xf32, #tpu.memory_space<vmem_shared>>
      tpu.wait_dma2 semaphore(%run_scoped3A : memref<!tpu.dma_semaphore, #tpu.memory_space<semaphore_mem>>) src(%arg5 : memref<128x128xf32, #tpu.memory_space<vmem>>) dst(%dma_wait3A_58 : memref<128x128xf32, #tpu.memory_space<vmem_shared>>)
      tpu.yield
    }) : () -> ()
    %scan3A_33 = arith.constant 0 : i32
    %scan3A_34 = arith.constant 0 : i32
    %scan3A_35 = arith.constant 128 : i32
    %scan3A_36 = arith.addi %scan3A_34, %scan3A_35 : i32
    %scan3A_37 = arith.constant 1 : i32
    scf.for %scan3A_53 = %scan3A_34 to %scan3A_36 step %scan3A_37  : i32 {
      %broadcast_in_dim3A = arith.constant 1.000000e+00 : f32
      %broadcast_in_dim3A_54 = vector.broadcast %broadcast_in_dim3A : f32 to vector<16xf32>
      %swap3A = arith.index_cast %scan3A_53 : i32 to index
      %swap3A_55 = arith.constant 0 : index
      %swap3A_56 = tpu.vector_load %arg5[%swap3A, %swap3A_55] {strides = array<i32>} : memref<128x128xf32, #tpu.memory_space<vmem>>, vector<1x16xf32>,
      %swap3A_57 = vector.shape_cast %swap3A_56 : vector<1x16xf32> to vector<16xf32>
      %swap3A_58 = vector.shape_cast %broadcast_in_dim3A_54 : vector<16xf32> to vector<1x16xf32>
      tpu.vector_store %arg5[%swap3A, %swap3A_55], %swap3A_58 {strides = array<i32>} : memref<128x128xf32, #tpu.memory_space<vmem>>, vector<1x16xf32>,
      %broadcast_in_dim3A_59 = arith.constant 1.000000e+00 : f32
      %broadcast_in_dim3A_60 = vector.broadcast %broadcast_in_dim3A_59 : f32 to vector<16xf32>
      %swap3A_61 = arith.index_cast %scan3A_53 : i32 to index
      %swap3A_62 = arith.constant 16 : index
      %swap3A_63 = tpu.vector_load %arg5[%swap3A_61, %swap3A_62] {strides = array<i32>} : memref<128x128xf32, #tpu.memory_space<vmem>>, vector<1x16xf32>,
      %swap3A_64 = vector.shape_cast %swap3A_63 : vector<1x16xf32> to vector<16xf32>
      %swap3A_65 = vector.shape_cast %broadcast_in_dim3A_60 : vector<16xf32> to vector<1x16xf32>
      tpu.vector_store %arg5[%swap3A_61, %swap3A_62], %swap3A_65 {strides = array<i32>} : memref<128x128xf32, #tpu.memory_space<vmem>>, vector<1x16xf32>,
      %broadcast_in_dim3A_66 = arith.constant 1.000000e+00 : f32
      %broadcast_in_dim3A_67 = vector.broadcast %broadcast_in_dim3A_66 : f32 to vector<16xf32>
      %swap3A_68 = arith.index_cast %scan3A_53 : i32 to index
      %swap3A_69 = arith.constant 32 : index
      %swap3A_70 = tpu.vector_load %arg5[%swap3A_68, %swap3A_69] {strides = array<i32>} : memref<128x128xf32, #tpu.memory_space<vmem>>, vector<1x16xf32>,
      %swap3A_71 = vector.shape_cast %swap3A_70 : vector<1x16xf32> to vector<16xf32>
      %swap3A_72 = vector.shape_cast %broadcast_in_dim3A_67 : vector<16xf32> to vector<1x16xf32>
      tpu.vector_store %arg5[%swap3A_68, %swap3A_69], %swap3A_72 {strides = array<i32>} : memref<128x128xf32, #tpu.memory_space<vmem>>, vector<1x16xf32>,
      %broadcast_in_dim3A_73 = arith.constant 1.000000e+00 : f32
      %broadcast_in_dim3A_74 = vector.broadcast %broadcast_in_dim3A_73 : f32 to vector<16xf32>
      %swap3A_75 = arith.index_cast %scan3A_53 : i32 to index
      %swap3A_76 = arith.constant 48 : index
      %swap3A_77 = tpu.vector_load %arg5[%swap3A_75, %swap3A_76] {strides = array<i32>} : memref<128x128xf32, #tpu.memory_space<vmem>>, vector<1x16xf32>,
      %swap3A_78 = vector.shape_cast %swap3A_77 : vector<1x16xf32> to vector<16xf32>
      %swap3A_79 = vector.shape_cast %broadcast_in_dim3A_74 : vector<16xf32> to vector<1x16xf32>
      tpu.vector_store %arg5[%swap3A_75, %swap3A_76], %swap3A_79 {strides = array<i32>} : memref<128x128xf32, #tpu.memory_space<vmem>>, vector<1x16xf32>,
      %broadcast_in_dim3A_80 = arith.constant 1.000000e+00 : f32
      %broadcast_in_dim3A_81 = vector.broadcast %broadcast_in_dim3A_80 : f32 to vector<16xf32>
      %swap3A_82 = arith.index_cast %scan3A_53 : i32 to index
      %swap3A_83 = arith.constant 64 : index
      %swap3A_84 = tpu.vector_load %arg5[%swap3A_82, %swap3A_83] {strides = array<i32>} : memref<128x128xf32, #tpu.memory_space<vmem>>, vector<1x16xf32>,
      %swap3A_85 = vector.shape_cast %swap3A_84 : vector<1x16xf32> to vector<16xf32>
      %swap3A_86 = vector.shape_cast %broadcast_in_dim3A_81 : vector<16xf32> to vector<1x16xf32>
      tpu.vector_store %arg5[%swap3A_82, %swap3A_83], %swap3A_86 {strides = array<i32>} : memref<128x128xf32, #tpu.memory_space<vmem>>, vector<1x16xf32>,
      %broadcast_in_dim3A_87 = arith.constant 1.000000e+00 : f32
      %broadcast_in_dim3A_88 = vector.broadcast %broadcast_in_dim3A_87 : f32 to vector<16xf32>
      %swap3A_89 = arith.index_cast %scan3A_53 : i32 to index
      %swap3A_90 = arith.constant 80 : index
      %swap3A_91 = tpu.vector_load %arg5[%swap3A_89, %swap3A_90] {strides = array<i32>} : memref<128x128xf32, #tpu.memory_space<vmem>>, vector<1x16xf32>,
      %swap3A_92 = vector.shape_cast %swap3A_91 : vector<1x16xf32> to vector<16xf32>
      %swap3A_93 = vector.shape_cast %broadcast_in_dim3A_88 : vector<16xf32> to vector<1x16xf32>
      tpu.vector_store %arg5[%swap3A_89, %swap3A_90], %swap3A_93 {strides = array<i32>} : memref<128x128xf32, #tpu.memory_space<vmem>>, vector<1x16xf32>,
      %broadcast_in_dim3A_94 = arith.constant 1.000000e+00 : f32
      %broadcast_in_dim3A_95 = vector.broadcast %broadcast_in_dim3A_94 : f32 to vector<16xf32>
      %swap3A_96 = arith.index_cast %scan3A_53 : i32 to index
      %swap3A_97 = arith.constant 96 : index
      %swap3A_98 = tpu.vector_load %arg5[%swap3A_96, %swap3A_97] {strides = array<i32>} : memref<128x128xf32, #tpu.memory_space<vmem>>, vector<1x16xf32>,
      %swap3A_99 = vector.shape_cast %swap3A_98 : vector<1x16xf32> to vector<16xf32>
      %swap3A_100 = vector.shape_cast %broadcast_in_dim3A_95 : vector<16xf32> to vector<1x16xf32>
      tpu.vector_store %arg5[%swap3A_96, %swap3A_97], %swap3A_100 {strides = array<i32>} : memref<128x128xf32, #tpu.memory_space<vmem>>, vector<1x16xf32>,
      %broadcast_in_dim3A_101 = arith.constant 1.000000e+00 : f32
      %broadcast_in_dim3A_102 = vector.broadcast %broadcast_in_dim3A_101 : f32 to vector<16xf32>
      %swap3A_103 = arith.index_cast %scan3A_53 : i32 to index
      %swap3A_104 = arith.constant 112 : index
      %swap3A_105 = tpu.vector_load %arg5[%swap3A_103, %swap3A_104] {strides = array<i32>} : memref<128x128xf32, #tpu.memory_space<vmem>>, vector<1x16xf32>,
      %swap3A_106 = vector.shape_cast %swap3A_105 : vector<1x16xf32> to vector<16xf32>
      %swap3A_107 = vector.shape_cast %broadcast_in_dim3A_102 : vector<16xf32> to vector<1x16xf32>
      tpu.vector_store %arg5[%swap3A_103, %swap3A_104], %swap3A_107 {strides = array<i32>} : memref<128x128xf32, #tpu.memory_space<vmem>>, vector<1x16xf32>,
    }
    %scan3A_38 = arith.constant 128 : i32
    %barrier3A = arith.constant 0 : index
    tpu.barrier barrier_id(%barrier3A)
    %mul3A_39 = arith.constant 16 : i32
    %mul3A_40 = arith.muli %arg0, %mul3A_39 : i32
    %add3A_41 = arith.addi %mul3A_40, %arg1 : i32
    %mul3A_42 = arith.constant 10112 : i32
    %mul3A_43 = arith.muli %add3A_41, %mul3A_42 : i32
    %scan3A_44 = arith.constant 0 : i32
    %scan3A_45 = arith.constant 0 : i32
    %scan3A_46 = arith.constant 79 : i32
    %scan3A_47 = arith.addi %scan3A_45, %scan3A_46 : i32
    %scan3A_48 = arith.constant 1 : i32
    scf.for %scan3A_53 = %scan3A_45 to %scan3A_47 step %scan3A_48  : i32 {
      %mul3A_54 = arith.constant 128 : i32
      %mul3A_55 = arith.muli %scan3A_53, %mul3A_54 : i32
      %add3A_56 = arith.addi %mul3A_43, %mul3A_55 : i32
      "tpu.region"() ({
        %run_scoped3A = tpu.sem_alloc : memref<!tpu.dma_semaphore, #tpu.memory_space<semaphore_mem>>
        %dma_start3A = tpu.memref_slice %arg2[%add3A_56] : memref<323584xi32, #tpu.memory_space<hbm>> -> memref<128xi32, #tpu.memory_space<hbm>>
        %dma_start3A_57 = tpu.memref_slice %arg2[%add3A_56] : memref<323584xi32, #tpu.memory_space<hbm>> -> memref<128xi32, #tpu.memory_space<hbm>>
        tpu.enqueue_dma source(%dma_start3A_57 : memref<128xi32, #tpu.memory_space<hbm>>) target(%arg4 : memref<128xi32, #tpu.memory_space<vmem>>) target_semaphore(%run_scoped3A : memref<!tpu.dma_semaphore, #tpu.memory_space<semaphore_mem>>)
        %dma_wait3A = tpu.memref_slice %arg2[%add3A_56] : memref<323584xi32, #tpu.memory_space<hbm>> -> memref<128xi32, #tpu.memory_space<hbm>>
        %dma_wait3A_58 = tpu.memref_slice %arg2[%add3A_56] : memref<323584xi32, #tpu.memory_space<hbm>> -> memref<128xi32, #tpu.memory_space<hbm>>
        tpu.wait_dma2 semaphore(%run_scoped3A : memref<!tpu.dma_semaphore, #tpu.memory_space<semaphore_mem>>) src(%dma_wait3A_58 : memref<128xi32, #tpu.memory_space<hbm>>) dst(%arg4 : memref<128xi32, #tpu.memory_space<vmem>>)
        tpu.yield
      }) : () -> ()
      "tpu.region"() ({
        %run_scoped3A = tpu.sem_alloc : memref<!tpu.dma_semaphore, #tpu.memory_space<semaphore_mem>>
        %dma_start3A = arith.constant 0 : i32
        %dma_start3A_57 = arith.constant 0 : i32
        %dma_start3A_58 = tpu.memref_slice %arg6[%dma_start3A, %dma_start3A_57] : memref<10240x128xf32, #tpu.memory_space<vmem_shared>> -> memref<10240x128xf32, #tpu.memory_space<vmem_shared>>
        tpu.enqueue_indirect_dma source(%arg5 : memref<128x128xf32, #tpu.memory_space<vmem>>) target(%dma_start3A_58 : memref<10240x128xf32, #tpu.memory_space<vmem_shared>>) offsets(%arg4 : memref<128xi32, #tpu.memory_space<vmem>>) semaphore(%run_scoped3A : memref<!tpu.dma_semaphore, #tpu.memory_space<semaphore_mem>>) {add = true}
        %dma_wait3A = arith.constant 0 : i32
        %dma_wait3A_59 = arith.constant 0 : i32
        %dma_wait3A_60 = tpu.memref_slice %arg6[%dma_wait3A, %dma_wait3A_59] : memref<10240x128xf32, #tpu.memory_space<vmem_shared>> -> memref<10240x128xf32, #tpu.memory_space<vmem_shared>>
        tpu.wait_indirect_dma semaphore(%run_scoped3A : memref<!tpu.dma_semaphore, #tpu.memory_space<semaphore_mem>>) src(%arg5 : memref<128x128xf32, #tpu.memory_space<vmem>>) dst(%dma_wait3A_60 : memref<10240x128xf32, #tpu.memory_space<vmem_shared>>)
        tpu.yield
      }) : () -> ()
    }
    %scan3A_49 = arith.constant 79 : i32
    %barrier3A_50 = arith.constant 0 : index
    tpu.barrier barrier_id(%barrier3A_50)
    %mul3A_51 = arith.constant 640 : i32
    %mul3A_52 = arith.muli %arg1, %mul3A_51 : i32
    "tpu.region"() ({
      %run_scoped3A = tpu.sem_alloc : memref<!tpu.dma_semaphore, #tpu.memory_space<semaphore_mem>>
      %dma_start3A = arith.constant 0 : i32
      %dma_start3A_53 = tpu.memref_slice %arg3[%arg0, %mul3A_52, %dma_start3A] : memref<2x10240x128xf32, #tpu.memory_space<hbm>> -> memref<1x640x128xf32, #tpu.memory_space<hbm>>
      %dma_start3A_54 = tpu.memref_squeeze %dma_start3A_53 : memref<1x640x128xf32, #tpu.memory_space<hbm>> -> memref<640x128xf32, #tpu.memory_space<hbm>>
      %dma_start3A_55 = arith.constant 0 : i32
      %dma_start3A_56 = tpu.memref_slice %arg6[%mul3A_52, %dma_start3A_55] : memref<10240x128xf32, #tpu.memory_space<vmem_shared>> -> memref<640x128xf32, #tpu.memory_space<vmem_shared>>
      tpu.enqueue_dma source(%dma_start3A_56 : memref<640x128xf32, #tpu.memory_space<vmem_shared>>) target(%dma_start3A_54 : memref<640x128xf32, #tpu.memory_space<hbm>>) target_semaphore(%run_scoped3A : memref<!tpu.dma_semaphore, #tpu.memory_space<semaphore_mem>>)
      %dma_wait3A = arith.constant 0 : i32
      %dma_wait3A_57 = tpu.memref_slice %arg3[%arg0, %mul3A_52, %dma_wait3A] : memref<2x10240x128xf32, #tpu.memory_space<hbm>> -> memref<1x640x128xf32, #tpu.memory_space<hbm>>
      %dma_wait3A_58 = tpu.memref_squeeze %dma_wait3A_57 : memref<1x640x128xf32, #tpu.memory_space<hbm>> -> memref<640x128xf32, #tpu.memory_space<hbm>>
      %dma_wait3A_59 = arith.constant 0 : i32
      %dma_wait3A_60 = tpu.memref_slice %arg6[%mul3A_52, %dma_wait3A_59] : memref<10240x128xf32, #tpu.memory_space<vmem_shared>> -> memref<640x128xf32, #tpu.memory_space<vmem_shared>>
      tpu.wait_dma2 semaphore(%run_scoped3A : memref<!tpu.dma_semaphore, #tpu.memory_space<semaphore_mem>>) src(%dma_wait3A_60 : memref<640x128xf32, #tpu.memory_space<vmem_shared>>) dst(%dma_wait3A_58 : memref<640x128xf32, #tpu.memory_space<hbm>>)
      tpu.yield
    }) : () -> ()
    return
  }
}

#map = affine_map<(d0, d1) -> (0, 0)>
#map1 = affine_map<(d0, d1) -> (0)>
#map2 = affine_map<(d0, d1) -> (0, 0, 0)>
module attributes {stable_mosaic.version = 14 : i64} {
  func.func @_prop(%arg0: i32, %arg1: i32, %arg2: memref<10240x128xf32, #tpu.memory_space<hbm>>, %arg3: memref<323584xi32, #tpu.memory_space<hbm>>, %arg4: memref<323584xi32, #tpu.memory_space<hbm>>, %arg5: memref<2x10240x128xf32, #tpu.memory_space<hbm>>, %arg6: memref<128xi32, #tpu.memory_space<vmem>>, %arg7: memref<128xi32, #tpu.memory_space<vmem>>, %arg8: memref<128x128xf32, #tpu.memory_space<vmem>>, %arg9: memref<10240x128xf32, #tpu.memory_space<vmem_shared>>, %arg10: memref<!tpu.dma_semaphore, #tpu.memory_space<semaphore_mem>>) attributes {dimension_semantics = [#tpu.dimension_semantics<core_parallel>, #tpu.dimension_semantics<subcore_parallel>], iteration_bounds = array<i64: 2, 16>, scalar_prefetch = 0 : i64, scratch_operands = 5 : i64, tpu.core_type = #tpu.core_type<sc_vector_subcore>, window_params = [{transform_indices = #map}, {transform_indices = #map1}, {transform_indices = #map1}, {transform_indices = #map2}]} {
    %scan3A = arith.constant 0 : i32
    %scan3A_0 = arith.constant 0 : i32
    %scan3A_1 = arith.constant 128 : i32
    %scan3A_2 = arith.addi %scan3A_0, %scan3A_1 : i32
    %scan3A_3 = arith.constant 1 : i32
    scf.for %scan3A_47 = %scan3A_0 to %scan3A_2 step %scan3A_3  : i32 {
      %broadcast_in_dim3A = arith.constant 0.000000e+00 : f32
      %broadcast_in_dim3A_48 = vector.broadcast %broadcast_in_dim3A : f32 to vector<16xf32>
      %swap3A = arith.index_cast %scan3A_47 : i32 to index
      %swap3A_49 = arith.constant 0 : index
      %swap3A_50 = tpu.vector_load %arg8[%swap3A, %swap3A_49] {strides = array<i32>} : memref<128x128xf32, #tpu.memory_space<vmem>>, vector<1x16xf32>,
      %swap3A_51 = vector.shape_cast %swap3A_50 : vector<1x16xf32> to vector<16xf32>
      %swap3A_52 = vector.shape_cast %broadcast_in_dim3A_48 : vector<16xf32> to vector<1x16xf32>
      tpu.vector_store %arg8[%swap3A, %swap3A_49], %swap3A_52 {strides = array<i32>} : memref<128x128xf32, #tpu.memory_space<vmem>>, vector<1x16xf32>,
      %broadcast_in_dim3A_53 = arith.constant 0.000000e+00 : f32
      %broadcast_in_dim3A_54 = vector.broadcast %broadcast_in_dim3A_53 : f32 to vector<16xf32>
      %swap3A_55 = arith.index_cast %scan3A_47 : i32 to index
      %swap3A_56 = arith.constant 16 : index
      %swap3A_57 = tpu.vector_load %arg8[%swap3A_55, %swap3A_56] {strides = array<i32>} : memref<128x128xf32, #tpu.memory_space<vmem>>, vector<1x16xf32>,
      %swap3A_58 = vector.shape_cast %swap3A_57 : vector<1x16xf32> to vector<16xf32>
      %swap3A_59 = vector.shape_cast %broadcast_in_dim3A_54 : vector<16xf32> to vector<1x16xf32>
      tpu.vector_store %arg8[%swap3A_55, %swap3A_56], %swap3A_59 {strides = array<i32>} : memref<128x128xf32, #tpu.memory_space<vmem>>, vector<1x16xf32>,
      %broadcast_in_dim3A_60 = arith.constant 0.000000e+00 : f32
      %broadcast_in_dim3A_61 = vector.broadcast %broadcast_in_dim3A_60 : f32 to vector<16xf32>
      %swap3A_62 = arith.index_cast %scan3A_47 : i32 to index
      %swap3A_63 = arith.constant 32 : index
      %swap3A_64 = tpu.vector_load %arg8[%swap3A_62, %swap3A_63] {strides = array<i32>} : memref<128x128xf32, #tpu.memory_space<vmem>>, vector<1x16xf32>,
      %swap3A_65 = vector.shape_cast %swap3A_64 : vector<1x16xf32> to vector<16xf32>
      %swap3A_66 = vector.shape_cast %broadcast_in_dim3A_61 : vector<16xf32> to vector<1x16xf32>
      tpu.vector_store %arg8[%swap3A_62, %swap3A_63], %swap3A_66 {strides = array<i32>} : memref<128x128xf32, #tpu.memory_space<vmem>>, vector<1x16xf32>,
      %broadcast_in_dim3A_67 = arith.constant 0.000000e+00 : f32
      %broadcast_in_dim3A_68 = vector.broadcast %broadcast_in_dim3A_67 : f32 to vector<16xf32>
      %swap3A_69 = arith.index_cast %scan3A_47 : i32 to index
      %swap3A_70 = arith.constant 48 : index
      %swap3A_71 = tpu.vector_load %arg8[%swap3A_69, %swap3A_70] {strides = array<i32>} : memref<128x128xf32, #tpu.memory_space<vmem>>, vector<1x16xf32>,
      %swap3A_72 = vector.shape_cast %swap3A_71 : vector<1x16xf32> to vector<16xf32>
      %swap3A_73 = vector.shape_cast %broadcast_in_dim3A_68 : vector<16xf32> to vector<1x16xf32>
      tpu.vector_store %arg8[%swap3A_69, %swap3A_70], %swap3A_73 {strides = array<i32>} : memref<128x128xf32, #tpu.memory_space<vmem>>, vector<1x16xf32>,
      %broadcast_in_dim3A_74 = arith.constant 0.000000e+00 : f32
      %broadcast_in_dim3A_75 = vector.broadcast %broadcast_in_dim3A_74 : f32 to vector<16xf32>
      %swap3A_76 = arith.index_cast %scan3A_47 : i32 to index
      %swap3A_77 = arith.constant 64 : index
      %swap3A_78 = tpu.vector_load %arg8[%swap3A_76, %swap3A_77] {strides = array<i32>} : memref<128x128xf32, #tpu.memory_space<vmem>>, vector<1x16xf32>,
      %swap3A_79 = vector.shape_cast %swap3A_78 : vector<1x16xf32> to vector<16xf32>
      %swap3A_80 = vector.shape_cast %broadcast_in_dim3A_75 : vector<16xf32> to vector<1x16xf32>
      tpu.vector_store %arg8[%swap3A_76, %swap3A_77], %swap3A_80 {strides = array<i32>} : memref<128x128xf32, #tpu.memory_space<vmem>>, vector<1x16xf32>,
      %broadcast_in_dim3A_81 = arith.constant 0.000000e+00 : f32
      %broadcast_in_dim3A_82 = vector.broadcast %broadcast_in_dim3A_81 : f32 to vector<16xf32>
      %swap3A_83 = arith.index_cast %scan3A_47 : i32 to index
      %swap3A_84 = arith.constant 80 : index
      %swap3A_85 = tpu.vector_load %arg8[%swap3A_83, %swap3A_84] {strides = array<i32>} : memref<128x128xf32, #tpu.memory_space<vmem>>, vector<1x16xf32>,
      %swap3A_86 = vector.shape_cast %swap3A_85 : vector<1x16xf32> to vector<16xf32>
      %swap3A_87 = vector.shape_cast %broadcast_in_dim3A_82 : vector<16xf32> to vector<1x16xf32>
      tpu.vector_store %arg8[%swap3A_83, %swap3A_84], %swap3A_87 {strides = array<i32>} : memref<128x128xf32, #tpu.memory_space<vmem>>, vector<1x16xf32>,
      %broadcast_in_dim3A_88 = arith.constant 0.000000e+00 : f32
      %broadcast_in_dim3A_89 = vector.broadcast %broadcast_in_dim3A_88 : f32 to vector<16xf32>
      %swap3A_90 = arith.index_cast %scan3A_47 : i32 to index
      %swap3A_91 = arith.constant 96 : index
      %swap3A_92 = tpu.vector_load %arg8[%swap3A_90, %swap3A_91] {strides = array<i32>} : memref<128x128xf32, #tpu.memory_space<vmem>>, vector<1x16xf32>,
      %swap3A_93 = vector.shape_cast %swap3A_92 : vector<1x16xf32> to vector<16xf32>
      %swap3A_94 = vector.shape_cast %broadcast_in_dim3A_89 : vector<16xf32> to vector<1x16xf32>
      tpu.vector_store %arg8[%swap3A_90, %swap3A_91], %swap3A_94 {strides = array<i32>} : memref<128x128xf32, #tpu.memory_space<vmem>>, vector<1x16xf32>,
      %broadcast_in_dim3A_95 = arith.constant 0.000000e+00 : f32
      %broadcast_in_dim3A_96 = vector.broadcast %broadcast_in_dim3A_95 : f32 to vector<16xf32>
      %swap3A_97 = arith.index_cast %scan3A_47 : i32 to index
      %swap3A_98 = arith.constant 112 : index
      %swap3A_99 = tpu.vector_load %arg8[%swap3A_97, %swap3A_98] {strides = array<i32>} : memref<128x128xf32, #tpu.memory_space<vmem>>, vector<1x16xf32>,
      %swap3A_100 = vector.shape_cast %swap3A_99 : vector<1x16xf32> to vector<16xf32>
      %swap3A_101 = vector.shape_cast %broadcast_in_dim3A_96 : vector<16xf32> to vector<1x16xf32>
      tpu.vector_store %arg8[%swap3A_97, %swap3A_98], %swap3A_101 {strides = array<i32>} : memref<128x128xf32, #tpu.memory_space<vmem>>, vector<1x16xf32>,
    }
    %scan3A_4 = arith.constant 128 : i32
    %mul3A = arith.constant 5 : i32
    %mul3A_5 = arith.muli %arg1, %mul3A : i32
    %add3A = arith.constant 0 : i32
    %add3A_6 = arith.addi %mul3A_5, %add3A : i32
    %mul3A_7 = arith.constant 128 : i32
    %mul3A_8 = arith.muli %add3A_6, %mul3A_7 : i32
    "tpu.region"() ({
      %run_scoped3A = tpu.sem_alloc : memref<!tpu.dma_semaphore, #tpu.memory_space<semaphore_mem>>
      %dma_start3A = arith.constant 0 : i32
      %dma_start3A_47 = tpu.memref_slice %arg9[%mul3A_8, %dma_start3A] : memref<10240x128xf32, #tpu.memory_space<vmem_shared>> -> memref<128x128xf32, #tpu.memory_space<vmem_shared>>
      %dma_start3A_48 = arith.constant 0 : i32
      %dma_start3A_49 = tpu.memref_slice %arg9[%mul3A_8, %dma_start3A_48] : memref<10240x128xf32, #tpu.memory_space<vmem_shared>> -> memref<128x128xf32, #tpu.memory_space<vmem_shared>>
      tpu.enqueue_dma source(%arg8 : memref<128x128xf32, #tpu.memory_space<vmem>>) target(%dma_start3A_49 : memref<128x128xf32, #tpu.memory_space<vmem_shared>>) target_semaphore(%run_scoped3A : memref<!tpu.dma_semaphore, #tpu.memory_space<semaphore_mem>>)
      %dma_wait3A = arith.constant 0 : i32
      %dma_wait3A_50 = tpu.memref_slice %arg9[%mul3A_8, %dma_wait3A] : memref<10240x128xf32, #tpu.memory_space<vmem_shared>> -> memref<128x128xf32, #tpu.memory_space<vmem_shared>>
      %dma_wait3A_51 = arith.constant 0 : i32
      %dma_wait3A_52 = tpu.memref_slice %arg9[%mul3A_8, %dma_wait3A_51] : memref<10240x128xf32, #tpu.memory_space<vmem_shared>> -> memref<128x128xf32, #tpu.memory_space<vmem_shared>>
      tpu.wait_dma2 semaphore(%run_scoped3A : memref<!tpu.dma_semaphore, #tpu.memory_space<semaphore_mem>>) src(%arg8 : memref<128x128xf32, #tpu.memory_space<vmem>>) dst(%dma_wait3A_52 : memref<128x128xf32, #tpu.memory_space<vmem_shared>>)
      tpu.yield
    }) : () -> ()
    %mul3A_9 = arith.constant 5 : i32
    %mul3A_10 = arith.muli %arg1, %mul3A_9 : i32
    %add3A_11 = arith.constant 1 : i32
    %add3A_12 = arith.addi %mul3A_10, %add3A_11 : i32
    %mul3A_13 = arith.constant 128 : i32
    %mul3A_14 = arith.muli %add3A_12, %mul3A_13 : i32
    "tpu.region"() ({
      %run_scoped3A = tpu.sem_alloc : memref<!tpu.dma_semaphore, #tpu.memory_space<semaphore_mem>>
      %dma_start3A = arith.constant 0 : i32
      %dma_start3A_47 = tpu.memref_slice %arg9[%mul3A_14, %dma_start3A] : memref<10240x128xf32, #tpu.memory_space<vmem_shared>> -> memref<128x128xf32, #tpu.memory_space<vmem_shared>>
      %dma_start3A_48 = arith.constant 0 : i32
      %dma_start3A_49 = tpu.memref_slice %arg9[%mul3A_14, %dma_start3A_48] : memref<10240x128xf32, #tpu.memory_space<vmem_shared>> -> memref<128x128xf32, #tpu.memory_space<vmem_shared>>
      tpu.enqueue_dma source(%arg8 : memref<128x128xf32, #tpu.memory_space<vmem>>) target(%dma_start3A_49 : memref<128x128xf32, #tpu.memory_space<vmem_shared>>) target_semaphore(%run_scoped3A : memref<!tpu.dma_semaphore, #tpu.memory_space<semaphore_mem>>)
      %dma_wait3A = arith.constant 0 : i32
      %dma_wait3A_50 = tpu.memref_slice %arg9[%mul3A_14, %dma_wait3A] : memref<10240x128xf32, #tpu.memory_space<vmem_shared>> -> memref<128x128xf32, #tpu.memory_space<vmem_shared>>
      %dma_wait3A_51 = arith.constant 0 : i32
      %dma_wait3A_52 = tpu.memref_slice %arg9[%mul3A_14, %dma_wait3A_51] : memref<10240x128xf32, #tpu.memory_space<vmem_shared>> -> memref<128x128xf32, #tpu.memory_space<vmem_shared>>
      tpu.wait_dma2 semaphore(%run_scoped3A : memref<!tpu.dma_semaphore, #tpu.memory_space<semaphore_mem>>) src(%arg8 : memref<128x128xf32, #tpu.memory_space<vmem>>) dst(%dma_wait3A_52 : memref<128x128xf32, #tpu.memory_space<vmem_shared>>)
      tpu.yield
    }) : () -> ()
    %mul3A_15 = arith.constant 5 : i32
    %mul3A_16 = arith.muli %arg1, %mul3A_15 : i32
    %add3A_17 = arith.constant 2 : i32
    %add3A_18 = arith.addi %mul3A_16, %add3A_17 : i32
    %mul3A_19 = arith.constant 128 : i32
    %mul3A_20 = arith.muli %add3A_18, %mul3A_19 : i32
    "tpu.region"() ({
      %run_scoped3A = tpu.sem_alloc : memref<!tpu.dma_semaphore, #tpu.memory_space<semaphore_mem>>
      %dma_start3A = arith.constant 0 : i32
      %dma_start3A_47 = tpu.memref_slice %arg9[%mul3A_20, %dma_start3A] : memref<10240x128xf32, #tpu.memory_space<vmem_shared>> -> memref<128x128xf32, #tpu.memory_space<vmem_shared>>
      %dma_start3A_48 = arith.constant 0 : i32
      %dma_start3A_49 = tpu.memref_slice %arg9[%mul3A_20, %dma_start3A_48] : memref<10240x128xf32, #tpu.memory_space<vmem_shared>> -> memref<128x128xf32, #tpu.memory_space<vmem_shared>>
      tpu.enqueue_dma source(%arg8 : memref<128x128xf32, #tpu.memory_space<vmem>>) target(%dma_start3A_49 : memref<128x128xf32, #tpu.memory_space<vmem_shared>>) target_semaphore(%run_scoped3A : memref<!tpu.dma_semaphore, #tpu.memory_space<semaphore_mem>>)
      %dma_wait3A = arith.constant 0 : i32
      %dma_wait3A_50 = tpu.memref_slice %arg9[%mul3A_20, %dma_wait3A] : memref<10240x128xf32, #tpu.memory_space<vmem_shared>> -> memref<128x128xf32, #tpu.memory_space<vmem_shared>>
      %dma_wait3A_51 = arith.constant 0 : i32
      %dma_wait3A_52 = tpu.memref_slice %arg9[%mul3A_20, %dma_wait3A_51] : memref<10240x128xf32, #tpu.memory_space<vmem_shared>> -> memref<128x128xf32, #tpu.memory_space<vmem_shared>>
      tpu.wait_dma2 semaphore(%run_scoped3A : memref<!tpu.dma_semaphore, #tpu.memory_space<semaphore_mem>>) src(%arg8 : memref<128x128xf32, #tpu.memory_space<vmem>>) dst(%dma_wait3A_52 : memref<128x128xf32, #tpu.memory_space<vmem_shared>>)
      tpu.yield
    }) : () -> ()
    %mul3A_21 = arith.constant 5 : i32
    %mul3A_22 = arith.muli %arg1, %mul3A_21 : i32
    %add3A_23 = arith.constant 3 : i32
    %add3A_24 = arith.addi %mul3A_22, %add3A_23 : i32
    %mul3A_25 = arith.constant 128 : i32
    %mul3A_26 = arith.muli %add3A_24, %mul3A_25 : i32
    "tpu.region"() ({
      %run_scoped3A = tpu.sem_alloc : memref<!tpu.dma_semaphore, #tpu.memory_space<semaphore_mem>>
      %dma_start3A = arith.constant 0 : i32
      %dma_start3A_47 = tpu.memref_slice %arg9[%mul3A_26, %dma_start3A] : memref<10240x128xf32, #tpu.memory_space<vmem_shared>> -> memref<128x128xf32, #tpu.memory_space<vmem_shared>>
      %dma_start3A_48 = arith.constant 0 : i32
      %dma_start3A_49 = tpu.memref_slice %arg9[%mul3A_26, %dma_start3A_48] : memref<10240x128xf32, #tpu.memory_space<vmem_shared>> -> memref<128x128xf32, #tpu.memory_space<vmem_shared>>
      tpu.enqueue_dma source(%arg8 : memref<128x128xf32, #tpu.memory_space<vmem>>) target(%dma_start3A_49 : memref<128x128xf32, #tpu.memory_space<vmem_shared>>) target_semaphore(%run_scoped3A : memref<!tpu.dma_semaphore, #tpu.memory_space<semaphore_mem>>)
      %dma_wait3A = arith.constant 0 : i32
      %dma_wait3A_50 = tpu.memref_slice %arg9[%mul3A_26, %dma_wait3A] : memref<10240x128xf32, #tpu.memory_space<vmem_shared>> -> memref<128x128xf32, #tpu.memory_space<vmem_shared>>
      %dma_wait3A_51 = arith.constant 0 : i32
      %dma_wait3A_52 = tpu.memref_slice %arg9[%mul3A_26, %dma_wait3A_51] : memref<10240x128xf32, #tpu.memory_space<vmem_shared>> -> memref<128x128xf32, #tpu.memory_space<vmem_shared>>
      tpu.wait_dma2 semaphore(%run_scoped3A : memref<!tpu.dma_semaphore, #tpu.memory_space<semaphore_mem>>) src(%arg8 : memref<128x128xf32, #tpu.memory_space<vmem>>) dst(%dma_wait3A_52 : memref<128x128xf32, #tpu.memory_space<vmem_shared>>)
      tpu.yield
    }) : () -> ()
    %mul3A_27 = arith.constant 5 : i32
    %mul3A_28 = arith.muli %arg1, %mul3A_27 : i32
    %add3A_29 = arith.constant 4 : i32
    %add3A_30 = arith.addi %mul3A_28, %add3A_29 : i32
    %mul3A_31 = arith.constant 128 : i32
    %mul3A_32 = arith.muli %add3A_30, %mul3A_31 : i32
    "tpu.region"() ({
      %run_scoped3A = tpu.sem_alloc : memref<!tpu.dma_semaphore, #tpu.memory_space<semaphore_mem>>
      %dma_start3A = arith.constant 0 : i32
      %dma_start3A_47 = tpu.memref_slice %arg9[%mul3A_32, %dma_start3A] : memref<10240x128xf32, #tpu.memory_space<vmem_shared>> -> memref<128x128xf32, #tpu.memory_space<vmem_shared>>
      %dma_start3A_48 = arith.constant 0 : i32
      %dma_start3A_49 = tpu.memref_slice %arg9[%mul3A_32, %dma_start3A_48] : memref<10240x128xf32, #tpu.memory_space<vmem_shared>> -> memref<128x128xf32, #tpu.memory_space<vmem_shared>>
      tpu.enqueue_dma source(%arg8 : memref<128x128xf32, #tpu.memory_space<vmem>>) target(%dma_start3A_49 : memref<128x128xf32, #tpu.memory_space<vmem_shared>>) target_semaphore(%run_scoped3A : memref<!tpu.dma_semaphore, #tpu.memory_space<semaphore_mem>>)
      %dma_wait3A = arith.constant 0 : i32
      %dma_wait3A_50 = tpu.memref_slice %arg9[%mul3A_32, %dma_wait3A] : memref<10240x128xf32, #tpu.memory_space<vmem_shared>> -> memref<128x128xf32, #tpu.memory_space<vmem_shared>>
      %dma_wait3A_51 = arith.constant 0 : i32
      %dma_wait3A_52 = tpu.memref_slice %arg9[%mul3A_32, %dma_wait3A_51] : memref<10240x128xf32, #tpu.memory_space<vmem_shared>> -> memref<128x128xf32, #tpu.memory_space<vmem_shared>>
      tpu.wait_dma2 semaphore(%run_scoped3A : memref<!tpu.dma_semaphore, #tpu.memory_space<semaphore_mem>>) src(%arg8 : memref<128x128xf32, #tpu.memory_space<vmem>>) dst(%dma_wait3A_52 : memref<128x128xf32, #tpu.memory_space<vmem_shared>>)
      tpu.yield
    }) : () -> ()
    %barrier3A = arith.constant 0 : index
    tpu.barrier barrier_id(%barrier3A)
    %mul3A_33 = arith.constant 16 : i32
    %mul3A_34 = arith.muli %arg0, %mul3A_33 : i32
    %add3A_35 = arith.addi %mul3A_34, %arg1 : i32
    %mul3A_36 = arith.constant 10112 : i32
    %mul3A_37 = arith.muli %add3A_35, %mul3A_36 : i32
    %scan3A_38 = arith.constant 0 : i32
    %scan3A_39 = arith.constant 0 : i32
    %scan3A_40 = arith.constant 79 : i32
    %scan3A_41 = arith.addi %scan3A_39, %scan3A_40 : i32
    %scan3A_42 = arith.constant 1 : i32
    scf.for %scan3A_47 = %scan3A_39 to %scan3A_41 step %scan3A_42  : i32 {
      %mul3A_48 = arith.constant 128 : i32
      %mul3A_49 = arith.muli %scan3A_47, %mul3A_48 : i32
      %add3A_50 = arith.addi %mul3A_37, %mul3A_49 : i32
      "tpu.region"() ({
        %run_scoped3A = tpu.sem_alloc : memref<!tpu.dma_semaphore, #tpu.memory_space<semaphore_mem>>
        %dma_start3A_55 = tpu.memref_slice %arg3[%add3A_50] : memref<323584xi32, #tpu.memory_space<hbm>> -> memref<128xi32, #tpu.memory_space<hbm>>
        %dma_start3A_56 = tpu.memref_slice %arg3[%add3A_50] : memref<323584xi32, #tpu.memory_space<hbm>> -> memref<128xi32, #tpu.memory_space<hbm>>
        tpu.enqueue_dma source(%dma_start3A_56 : memref<128xi32, #tpu.memory_space<hbm>>) target(%arg6 : memref<128xi32, #tpu.memory_space<vmem>>) target_semaphore(%run_scoped3A : memref<!tpu.dma_semaphore, #tpu.memory_space<semaphore_mem>>)
        %dma_wait3A_57 = tpu.memref_slice %arg3[%add3A_50] : memref<323584xi32, #tpu.memory_space<hbm>> -> memref<128xi32, #tpu.memory_space<hbm>>
        %dma_wait3A_58 = tpu.memref_slice %arg3[%add3A_50] : memref<323584xi32, #tpu.memory_space<hbm>> -> memref<128xi32, #tpu.memory_space<hbm>>
        tpu.wait_dma2 semaphore(%run_scoped3A : memref<!tpu.dma_semaphore, #tpu.memory_space<semaphore_mem>>) src(%dma_wait3A_58 : memref<128xi32, #tpu.memory_space<hbm>>) dst(%arg6 : memref<128xi32, #tpu.memory_space<vmem>>)
        tpu.yield
      }) : () -> ()
      "tpu.region"() ({
        %run_scoped3A = tpu.sem_alloc : memref<!tpu.dma_semaphore, #tpu.memory_space<semaphore_mem>>
        %dma_start3A_55 = tpu.memref_slice %arg4[%add3A_50] : memref<323584xi32, #tpu.memory_space<hbm>> -> memref<128xi32, #tpu.memory_space<hbm>>
        %dma_start3A_56 = tpu.memref_slice %arg4[%add3A_50] : memref<323584xi32, #tpu.memory_space<hbm>> -> memref<128xi32, #tpu.memory_space<hbm>>
        tpu.enqueue_dma source(%dma_start3A_56 : memref<128xi32, #tpu.memory_space<hbm>>) target(%arg7 : memref<128xi32, #tpu.memory_space<vmem>>) target_semaphore(%run_scoped3A : memref<!tpu.dma_semaphore, #tpu.memory_space<semaphore_mem>>)
        %dma_wait3A_57 = tpu.memref_slice %arg4[%add3A_50] : memref<323584xi32, #tpu.memory_space<hbm>> -> memref<128xi32, #tpu.memory_space<hbm>>
        %dma_wait3A_58 = tpu.memref_slice %arg4[%add3A_50] : memref<323584xi32, #tpu.memory_space<hbm>> -> memref<128xi32, #tpu.memory_space<hbm>>
        tpu.wait_dma2 semaphore(%run_scoped3A : memref<!tpu.dma_semaphore, #tpu.memory_space<semaphore_mem>>) src(%dma_wait3A_58 : memref<128xi32, #tpu.memory_space<hbm>>) dst(%arg7 : memref<128xi32, #tpu.memory_space<vmem>>)
        tpu.yield
      }) : () -> ()
      %dma_start3A = arith.constant 0 : i32
      %dma_start3A_51 = arith.constant 0 : i32
      %dma_start3A_52 = tpu.memref_slice %arg2[%dma_start3A, %dma_start3A_51] : memref<10240x128xf32, #tpu.memory_space<hbm>> -> memref<10240x128xf32, #tpu.memory_space<hbm>>
      tpu.enqueue_indirect_dma source(%dma_start3A_52 : memref<10240x128xf32, #tpu.memory_space<hbm>>) target(%arg8 : memref<128x128xf32, #tpu.memory_space<vmem>>) offsets(%arg6 : memref<128xi32, #tpu.memory_space<vmem>>) semaphore(%arg10 : memref<!tpu.dma_semaphore, #tpu.memory_space<semaphore_mem>>)
      %dma_wait3A = arith.constant 0 : i32
      %dma_wait3A_53 = arith.constant 0 : i32
      %dma_wait3A_54 = tpu.memref_slice %arg2[%dma_wait3A, %dma_wait3A_53] : memref<10240x128xf32, #tpu.memory_space<hbm>> -> memref<10240x128xf32, #tpu.memory_space<hbm>>
      tpu.wait_indirect_dma semaphore(%arg10 : memref<!tpu.dma_semaphore, #tpu.memory_space<semaphore_mem>>) src(%dma_wait3A_54 : memref<10240x128xf32, #tpu.memory_space<hbm>>) dst(%arg8 : memref<128x128xf32, #tpu.memory_space<vmem>>)
      "tpu.region"() ({
        %run_scoped3A = tpu.sem_alloc : memref<!tpu.dma_semaphore, #tpu.memory_space<semaphore_mem>>
        %dma_start3A_55 = arith.constant 0 : i32
        %dma_start3A_56 = arith.constant 0 : i32
        %dma_start3A_57 = tpu.memref_slice %arg9[%dma_start3A_55, %dma_start3A_56] : memref<10240x128xf32, #tpu.memory_space<vmem_shared>> -> memref<10240x128xf32, #tpu.memory_space<vmem_shared>>
        tpu.enqueue_indirect_dma source(%arg8 : memref<128x128xf32, #tpu.memory_space<vmem>>) target(%dma_start3A_57 : memref<10240x128xf32, #tpu.memory_space<vmem_shared>>) offsets(%arg7 : memref<128xi32, #tpu.memory_space<vmem>>) semaphore(%run_scoped3A : memref<!tpu.dma_semaphore, #tpu.memory_space<semaphore_mem>>) {add = true}
        %dma_wait3A_58 = arith.constant 0 : i32
        %dma_wait3A_59 = arith.constant 0 : i32
        %dma_wait3A_60 = tpu.memref_slice %arg9[%dma_wait3A_58, %dma_wait3A_59] : memref<10240x128xf32, #tpu.memory_space<vmem_shared>> -> memref<10240x128xf32, #tpu.memory_space<vmem_shared>>
        tpu.wait_indirect_dma semaphore(%run_scoped3A : memref<!tpu.dma_semaphore, #tpu.memory_space<semaphore_mem>>) src(%arg8 : memref<128x128xf32, #tpu.memory_space<vmem>>) dst(%dma_wait3A_60 : memref<10240x128xf32, #tpu.memory_space<vmem_shared>>)
        tpu.yield
      }) : () -> ()
    }
    %scan3A_43 = arith.constant 79 : i32
    %barrier3A_44 = arith.constant 0 : index
    tpu.barrier barrier_id(%barrier3A_44)
    %mul3A_45 = arith.constant 640 : i32
    %mul3A_46 = arith.muli %arg1, %mul3A_45 : i32
    "tpu.region"() ({
      %run_scoped3A = tpu.sem_alloc : memref<!tpu.dma_semaphore, #tpu.memory_space<semaphore_mem>>
      %dma_start3A = arith.constant 0 : i32
      %dma_start3A_47 = tpu.memref_slice %arg5[%arg0, %mul3A_46, %dma_start3A] : memref<2x10240x128xf32, #tpu.memory_space<hbm>> -> memref<1x640x128xf32, #tpu.memory_space<hbm>>
      %dma_start3A_48 = tpu.memref_squeeze %dma_start3A_47 : memref<1x640x128xf32, #tpu.memory_space<hbm>> -> memref<640x128xf32, #tpu.memory_space<hbm>>
      %dma_start3A_49 = arith.constant 0 : i32
      %dma_start3A_50 = tpu.memref_slice %arg9[%mul3A_46, %dma_start3A_49] : memref<10240x128xf32, #tpu.memory_space<vmem_shared>> -> memref<640x128xf32, #tpu.memory_space<vmem_shared>>
      tpu.enqueue_dma source(%dma_start3A_50 : memref<640x128xf32, #tpu.memory_space<vmem_shared>>) target(%dma_start3A_48 : memref<640x128xf32, #tpu.memory_space<hbm>>) target_semaphore(%run_scoped3A : memref<!tpu.dma_semaphore, #tpu.memory_space<semaphore_mem>>)
      %dma_wait3A = arith.constant 0 : i32
      %dma_wait3A_51 = tpu.memref_slice %arg5[%arg0, %mul3A_46, %dma_wait3A] : memref<2x10240x128xf32, #tpu.memory_space<hbm>> -> memref<1x640x128xf32, #tpu.memory_space<hbm>>
      %dma_wait3A_52 = tpu.memref_squeeze %dma_wait3A_51 : memref<1x640x128xf32, #tpu.memory_space<hbm>> -> memref<640x128xf32, #tpu.memory_space<hbm>>
      %dma_wait3A_53 = arith.constant 0 : i32
      %dma_wait3A_54 = tpu.memref_slice %arg9[%mul3A_46, %dma_wait3A_53] : memref<10240x128xf32, #tpu.memory_space<vmem_shared>> -> memref<640x128xf32, #tpu.memory_space<vmem_shared>>
      tpu.wait_dma2 semaphore(%run_scoped3A : memref<!tpu.dma_semaphore, #tpu.memory_space<semaphore_mem>>) src(%dma_wait3A_54 : memref<640x128xf32, #tpu.memory_space<vmem_shared>>) dst(%dma_wait3A_52 : memref<640x128xf32, #tpu.memory_space<hbm>>)
      tpu.yield
    }) : () -> ()
    return
  }
}

module attributes {stable_mosaic.version = 14 : i64} {
  func.func @_k1_body(%arg0: i32, %arg1: memref<2x512xf32, #tpu.memory_space<vmem>>, %arg2: memref<512x128xf32, #tpu.memory_space<vmem>>, %arg3: memref<512x128xf32, #tpu.memory_space<vmem>>) attributes {dimension_semantics = [#tpu.dimension_semantics<arbitrary>], iteration_bounds = array<i64: 20>, scalar_prefetch = 0 : i64, scratch_operands = 0 : i64, tpu.core_type = #tpu.core_type<tc>, window_params = [{transform_indices = @transform_0, window_bounds = array<i64: 2, 512>}, {transform_indices = @transform_1, window_bounds = array<i64: 512, 128>}, {transform_indices = @transform_2, window_bounds = array<i64: 512, 128>}]} {
    %get3A = arith.constant 0 : index
    %get3A_0 = arith.constant 0 : index
    %get3A_1 = vector.load %arg1[%get3A, %get3A_0] : memref<2x512xf32, #tpu.memory_space<vmem>>, vector<1x512xf32>
    %get3A_2 = vector.shape_cast %get3A_1 : vector<1x512xf32> to vector<512xf32>
    %get3A_3 = arith.constant 1 : index
    %get3A_4 = arith.constant 0 : index
    %get3A_5 = vector.load %arg1[%get3A_3, %get3A_4] : memref<2x512xf32, #tpu.memory_space<vmem>>, vector<1x512xf32>
    %get3A_6 = vector.shape_cast %get3A_5 : vector<1x512xf32> to vector<512xf32>
    %add3A = arith.addf %get3A_2, %get3A_6 : vector<512xf32>
    %add3A_7 = arith.constant 1.000000e+00 : f32
    %add3A_8 = vector.broadcast %add3A_7 : f32 to vector<512xf32>
    %add3A_9 = arith.addf %add3A, %add3A_8 : vector<512xf32>
    %rsqrt3A = math.rsqrt %add3A_9 : vector<512xf32>
    %get3A_10 = arith.constant 0 : index
    %get3A_11 = arith.constant 0 : index
    %get3A_12 = vector.load %arg2[%get3A_10, %get3A_11] : memref<512x128xf32, #tpu.memory_space<vmem>>, vector<512x128xf32>
    %broadcast_in_dim3A = vector.shape_cast %rsqrt3A : vector<512xf32> to vector<512x1xf32>
    %mul3A = vector.broadcast %broadcast_in_dim3A : vector<512x1xf32> to vector<512x128xf32>
    %mul3A_13 = arith.mulf %get3A_12, %mul3A : vector<512x128xf32>
    %swap3A = arith.constant 0 : index
    %swap3A_14 = arith.constant 0 : index
    %swap3A_15 = vector.load %arg3[%swap3A, %swap3A_14] : memref<512x128xf32, #tpu.memory_space<vmem>>, vector<512x128xf32>
    tpu.vector_store %arg3[%swap3A, %swap3A_14], %mul3A_13 {strides = array<i32>} : memref<512x128xf32, #tpu.memory_space<vmem>>, vector<512x128xf32>,
    return
  }
  func.func @transform_0(%arg0: i32) -> (i32, i32) {
    %c0_i32 = arith.constant 0 : i32
    %c0_i32_0 = arith.constant 0 : i32
    return %c0_i32, %arg0 : i32, i32
  }
  func.func @transform_1(%arg0: i32) -> (i32, i32) {
    %c0_i32 = arith.constant 0 : i32
    %c0_i32_0 = arith.constant 0 : i32
    return %arg0, %c0_i32 : i32, i32
  }
  func.func @transform_2(%arg0: i32) -> (i32, i32) {
    %c0_i32 = arith.constant 0 : i32
    %c0_i32_0 = arith.constant 0 : i32
    return %arg0, %c0_i32 : i32, i32
  }
}

module attributes {stable_mosaic.version = 14 : i64} {
  func.func @_k2_body(%arg0: i32, %arg1: memref<2x512xf32, #tpu.memory_space<vmem>>, %arg2: memref<2x512x128xf32, #tpu.memory_space<vmem>>, %arg3: memref<512x128xf32, #tpu.memory_space<vmem>>, %arg4: memref<128x128xf32, #tpu.memory_space<vmem>>, %arg5: memref<1x128xf32, #tpu.memory_space<vmem>>, %arg6: memref<512x128xf32, #tpu.memory_space<vmem>>, %arg7: memref<512x128xf32, #tpu.memory_space<vmem>>) attributes {dimension_semantics = [#tpu.dimension_semantics<arbitrary>], iteration_bounds = array<i64: 20>, scalar_prefetch = 0 : i64, scratch_operands = 0 : i64, tpu.core_type = #tpu.core_type<tc>, window_params = [{transform_indices = @transform_0, window_bounds = array<i64: 2, 512>}, {transform_indices = @transform_1, window_bounds = array<i64: 2, 512, 128>}, {transform_indices = @transform_2, window_bounds = array<i64: 512, 128>}, {pipeline_mode = #tpu.pipeline_mode<synchronous>, transform_indices = @transform_3, window_bounds = array<i64: 128, 128>}, {pipeline_mode = #tpu.pipeline_mode<synchronous>, transform_indices = @transform_4, window_bounds = array<i64: 1, 128>}, {transform_indices = @transform_5, window_bounds = array<i64: 512, 128>}, {transform_indices = @transform_6, window_bounds = array<i64: 512, 128>}]} {
    %get3A = arith.constant 0 : index
    %get3A_0 = arith.constant 0 : index
    %get3A_1 = vector.load %arg1[%get3A, %get3A_0] : memref<2x512xf32, #tpu.memory_space<vmem>>, vector<1x512xf32>
    %get3A_2 = vector.shape_cast %get3A_1 : vector<1x512xf32> to vector<512xf32>
    %get3A_3 = arith.constant 1 : index
    %get3A_4 = arith.constant 0 : index
    %get3A_5 = vector.load %arg1[%get3A_3, %get3A_4] : memref<2x512xf32, #tpu.memory_space<vmem>>, vector<1x512xf32>
    %get3A_6 = vector.shape_cast %get3A_5 : vector<1x512xf32> to vector<512xf32>
    %add3A = arith.addf %get3A_2, %get3A_6 : vector<512xf32>
    %add3A_7 = arith.constant 1.000000e+00 : f32
    %add3A_8 = vector.broadcast %add3A_7 : f32 to vector<512xf32>
    %add3A_9 = arith.addf %add3A, %add3A_8 : vector<512xf32>
    %rsqrt3A = math.rsqrt %add3A_9 : vector<512xf32>
    %get3A_10 = arith.constant 0 : index
    %get3A_11 = arith.constant 0 : index
    %get3A_12 = arith.constant 0 : index
    %get3A_13 = vector.load %arg2[%get3A_10, %get3A_11, %get3A_12] : memref<2x512x128xf32, #tpu.memory_space<vmem>>, vector<1x512x128xf32>
    %get3A_14 = vector.shape_cast %get3A_13 : vector<1x512x128xf32> to vector<512x128xf32>
    %get3A_15 = arith.constant 1 : index
    %get3A_16 = arith.constant 0 : index
    %get3A_17 = arith.constant 0 : index
    %get3A_18 = vector.load %arg2[%get3A_15, %get3A_16, %get3A_17] : memref<2x512x128xf32, #tpu.memory_space<vmem>>, vector<1x512x128xf32>
    %get3A_19 = vector.shape_cast %get3A_18 : vector<1x512x128xf32> to vector<512x128xf32>
    %add3A_20 = arith.addf %get3A_14, %get3A_19 : vector<512x128xf32>
    %broadcast_in_dim3A = vector.shape_cast %rsqrt3A : vector<512xf32> to vector<512x1xf32>
    %mul3A = vector.broadcast %broadcast_in_dim3A : vector<512x1xf32> to vector<512x128xf32>
    %mul3A_21 = arith.mulf %add3A_20, %mul3A : vector<512x128xf32>
    %get3A_22 = arith.constant 0 : index
    %get3A_23 = arith.constant 0 : index
    %get3A_24 = vector.load %arg3[%get3A_22, %get3A_23] : memref<512x128xf32, #tpu.memory_space<vmem>>, vector<512x128xf32>
    %mul3A_25 = arith.mulf %rsqrt3A, %rsqrt3A : vector<512xf32>
    %broadcast_in_dim3A_26 = vector.shape_cast %mul3A_25 : vector<512xf32> to vector<512x1xf32>
    %mul3A_27 = vector.broadcast %broadcast_in_dim3A_26 : vector<512x1xf32> to vector<512x128xf32>
    %mul3A_28 = arith.mulf %get3A_24, %mul3A_27 : vector<512x128xf32>
    %add3A_29 = arith.addf %mul3A_21, %mul3A_28 : vector<512x128xf32>
    %get3A_30 = arith.constant 0 : index
    %get3A_31 = arith.constant 0 : index
    %get3A_32 = vector.load %arg4[%get3A_30, %get3A_31] : memref<128x128xf32, #tpu.memory_space<vmem>>, vector<128x128xf32>
    %dot_general3A = arith.constant dense<0.000000e+00> : vector<512x128xf32>
    %dot_general3A_33 = tpu.matmul %add3A_29, %get3A_32, %dot_general3A {dimension_numbers = #tpu.dot_dimension_numbers<[1], [0], [0], [1], [0, 0, 1, 1], [], []>, transpose_lhs_hint = false} : vector<512x128xf32>, vector<128x128xf32>, vector<512x128xf32> -> vector<512x128xf32>
    %get3A_34 = arith.constant 0 : index
    %get3A_35 = arith.constant 0 : index
    %get3A_36 = vector.load %arg5[%get3A_34, %get3A_35] : memref<1x128xf32, #tpu.memory_space<vmem>>, vector<1x128xf32>
    %add3A_37 = vector.broadcast %get3A_36 : vector<1x128xf32> to vector<512x128xf32>
    %add3A_38 = arith.addf %dot_general3A_33, %add3A_37 : vector<512x128xf32>
    %max3A = arith.constant 0.000000e+00 : f32
    %max3A_39 = vector.broadcast %max3A : f32 to vector<512x128xf32>
    %max3A_40 = arith.maximumf %add3A_38, %max3A_39 : vector<512x128xf32>
    %swap3A = arith.constant 0 : index
    %swap3A_41 = arith.constant 0 : index
    %swap3A_42 = vector.load %arg6[%swap3A, %swap3A_41] : memref<512x128xf32, #tpu.memory_space<vmem>>, vector<512x128xf32>
    tpu.vector_store %arg6[%swap3A, %swap3A_41], %max3A_40 {strides = array<i32>} : memref<512x128xf32, #tpu.memory_space<vmem>>, vector<512x128xf32>,
    %broadcast_in_dim3A_43 = vector.shape_cast %rsqrt3A : vector<512xf32> to vector<512x1xf32>
    %mul3A_44 = vector.broadcast %broadcast_in_dim3A_43 : vector<512x1xf32> to vector<512x128xf32>
    %mul3A_45 = arith.mulf %max3A_40, %mul3A_44 : vector<512x128xf32>
    %swap3A_46 = arith.constant 0 : index
    %swap3A_47 = arith.constant 0 : index
    %swap3A_48 = vector.load %arg7[%swap3A_46, %swap3A_47] : memref<512x128xf32, #tpu.memory_space<vmem>>, vector<512x128xf32>
    tpu.vector_store %arg7[%swap3A_46, %swap3A_47], %mul3A_45 {strides = array<i32>} : memref<512x128xf32, #tpu.memory_space<vmem>>, vector<512x128xf32>,
    return
  }
  func.func @transform_0(%arg0: i32) -> (i32, i32) {
    %c0_i32 = arith.constant 0 : i32
    %c0_i32_0 = arith.constant 0 : i32
    return %c0_i32, %arg0 : i32, i32
  }
  func.func @transform_1(%arg0: i32) -> (i32, i32, i32) {
    %c0_i32 = arith.constant 0 : i32
    %c0_i32_0 = arith.constant 0 : i32
    %c0_i32_1 = arith.constant 0 : i32
    return %c0_i32, %arg0, %c0_i32_0 : i32, i32, i32
  }
  func.func @transform_2(%arg0: i32) -> (i32, i32) {
    %c0_i32 = arith.constant 0 : i32
    %c0_i32_0 = arith.constant 0 : i32
    return %arg0, %c0_i32 : i32, i32
  }
  func.func @transform_3(%arg0: i32) -> (i32, i32) {
    %c0_i32 = arith.constant 0 : i32
    %c0_i32_0 = arith.constant 0 : i32
    %c0_i32_1 = arith.constant 0 : i32
    return %c0_i32, %c0_i32_0 : i32, i32
  }
  func.func @transform_4(%arg0: i32) -> (i32, i32) {
    %c0_i32 = arith.constant 0 : i32
    %c0_i32_0 = arith.constant 0 : i32
    %c0_i32_1 = arith.constant 0 : i32
    return %c0_i32, %c0_i32_0 : i32, i32
  }
  func.func @transform_5(%arg0: i32) -> (i32, i32) {
    %c0_i32 = arith.constant 0 : i32
    %c0_i32_0 = arith.constant 0 : i32
    return %arg0, %c0_i32 : i32, i32
  }
  func.func @transform_6(%arg0: i32) -> (i32, i32) {
    %c0_i32 = arith.constant 0 : i32
    %c0_i32_0 = arith.constant 0 : i32
    return %arg0, %c0_i32 : i32, i32
  }
}

module attributes {stable_mosaic.version = 14 : i64} {
  func.func @_k3_body(%arg0: i32, %arg1: memref<2x512xf32, #tpu.memory_space<vmem>>, %arg2: memref<2x512x128xf32, #tpu.memory_space<vmem>>, %arg3: memref<512x128xf32, #tpu.memory_space<vmem>>, %arg4: memref<128x128xf32, #tpu.memory_space<vmem>>, %arg5: memref<1x128xf32, #tpu.memory_space<vmem>>, %arg6: memref<512x128xf32, #tpu.memory_space<vmem>>) attributes {dimension_semantics = [#tpu.dimension_semantics<arbitrary>], iteration_bounds = array<i64: 20>, scalar_prefetch = 0 : i64, scratch_operands = 0 : i64, tpu.core_type = #tpu.core_type<tc>, window_params = [{transform_indices = @transform_0, window_bounds = array<i64: 2, 512>}, {transform_indices = @transform_1, window_bounds = array<i64: 2, 512, 128>}, {transform_indices = @transform_2, window_bounds = array<i64: 512, 128>}, {pipeline_mode = #tpu.pipeline_mode<synchronous>, transform_indices = @transform_3, window_bounds = array<i64: 128, 128>}, {pipeline_mode = #tpu.pipeline_mode<synchronous>, transform_indices = @transform_4, window_bounds = array<i64: 1, 128>}, {transform_indices = @transform_5, window_bounds = array<i64: 512, 128>}]} {
    %get3A = arith.constant 0 : index
    %get3A_0 = arith.constant 0 : index
    %get3A_1 = vector.load %arg1[%get3A, %get3A_0] : memref<2x512xf32, #tpu.memory_space<vmem>>, vector<1x512xf32>
    %get3A_2 = vector.shape_cast %get3A_1 : vector<1x512xf32> to vector<512xf32>
    %get3A_3 = arith.constant 1 : index
    %get3A_4 = arith.constant 0 : index
    %get3A_5 = vector.load %arg1[%get3A_3, %get3A_4] : memref<2x512xf32, #tpu.memory_space<vmem>>, vector<1x512xf32>
    %get3A_6 = vector.shape_cast %get3A_5 : vector<1x512xf32> to vector<512xf32>
    %add3A = arith.addf %get3A_2, %get3A_6 : vector<512xf32>
    %add3A_7 = arith.constant 1.000000e+00 : f32
    %add3A_8 = vector.broadcast %add3A_7 : f32 to vector<512xf32>
    %add3A_9 = arith.addf %add3A, %add3A_8 : vector<512xf32>
    %rsqrt3A = math.rsqrt %add3A_9 : vector<512xf32>
    %get3A_10 = arith.constant 0 : index
    %get3A_11 = arith.constant 0 : index
    %get3A_12 = arith.constant 0 : index
    %get3A_13 = vector.load %arg2[%get3A_10, %get3A_11, %get3A_12] : memref<2x512x128xf32, #tpu.memory_space<vmem>>, vector<1x512x128xf32>
    %get3A_14 = vector.shape_cast %get3A_13 : vector<1x512x128xf32> to vector<512x128xf32>
    %get3A_15 = arith.constant 1 : index
    %get3A_16 = arith.constant 0 : index
    %get3A_17 = arith.constant 0 : index
    %get3A_18 = vector.load %arg2[%get3A_15, %get3A_16, %get3A_17] : memref<2x512x128xf32, #tpu.memory_space<vmem>>, vector<1x512x128xf32>
    %get3A_19 = vector.shape_cast %get3A_18 : vector<1x512x128xf32> to vector<512x128xf32>
    %add3A_20 = arith.addf %get3A_14, %get3A_19 : vector<512x128xf32>
    %broadcast_in_dim3A = vector.shape_cast %rsqrt3A : vector<512xf32> to vector<512x1xf32>
    %mul3A = vector.broadcast %broadcast_in_dim3A : vector<512x1xf32> to vector<512x128xf32>
    %mul3A_21 = arith.mulf %add3A_20, %mul3A : vector<512x128xf32>
    %get3A_22 = arith.constant 0 : index
    %get3A_23 = arith.constant 0 : index
    %get3A_24 = vector.load %arg3[%get3A_22, %get3A_23] : memref<512x128xf32, #tpu.memory_space<vmem>>, vector<512x128xf32>
    %mul3A_25 = arith.mulf %rsqrt3A, %rsqrt3A : vector<512xf32>
    %broadcast_in_dim3A_26 = vector.shape_cast %mul3A_25 : vector<512xf32> to vector<512x1xf32>
    %mul3A_27 = vector.broadcast %broadcast_in_dim3A_26 : vector<512x1xf32> to vector<512x128xf32>
    %mul3A_28 = arith.mulf %get3A_24, %mul3A_27 : vector<512x128xf32>
    %add3A_29 = arith.addf %mul3A_21, %mul3A_28 : vector<512x128xf32>
    %get3A_30 = arith.constant 0 : index
    %get3A_31 = arith.constant 0 : index
    %get3A_32 = vector.load %arg4[%get3A_30, %get3A_31] : memref<128x128xf32, #tpu.memory_space<vmem>>, vector<128x128xf32>
    %dot_general3A = arith.constant dense<0.000000e+00> : vector<512x128xf32>
    %dot_general3A_33 = tpu.matmul %add3A_29, %get3A_32, %dot_general3A {dimension_numbers = #tpu.dot_dimension_numbers<[1], [0], [0], [1], [0, 0, 1, 1], [], []>, transpose_lhs_hint = false} : vector<512x128xf32>, vector<128x128xf32>, vector<512x128xf32> -> vector<512x128xf32>
    %get3A_34 = arith.constant 0 : index
    %get3A_35 = arith.constant 0 : index
    %get3A_36 = vector.load %arg5[%get3A_34, %get3A_35] : memref<1x128xf32, #tpu.memory_space<vmem>>, vector<1x128xf32>
    %add3A_37 = vector.broadcast %get3A_36 : vector<1x128xf32> to vector<512x128xf32>
    %add3A_38 = arith.addf %dot_general3A_33, %add3A_37 : vector<512x128xf32>
    %swap3A = arith.constant 0 : index
    %swap3A_39 = arith.constant 0 : index
    %swap3A_40 = vector.load %arg6[%swap3A, %swap3A_39] : memref<512x128xf32, #tpu.memory_space<vmem>>, vector<512x128xf32>
    tpu.vector_store %arg6[%swap3A, %swap3A_39], %add3A_38 {strides = array<i32>} : memref<512x128xf32, #tpu.memory_space<vmem>>, vector<512x128xf32>,
    return
  }
  func.func @transform_0(%arg0: i32) -> (i32, i32) {
    %c0_i32 = arith.constant 0 : i32
    %c0_i32_0 = arith.constant 0 : i32
    return %c0_i32, %arg0 : i32, i32
  }
  func.func @transform_1(%arg0: i32) -> (i32, i32, i32) {
    %c0_i32 = arith.constant 0 : i32
    %c0_i32_0 = arith.constant 0 : i32
    %c0_i32_1 = arith.constant 0 : i32
    return %c0_i32, %arg0, %c0_i32_0 : i32, i32, i32
  }
  func.func @transform_2(%arg0: i32) -> (i32, i32) {
    %c0_i32 = arith.constant 0 : i32
    %c0_i32_0 = arith.constant 0 : i32
    return %arg0, %c0_i32 : i32, i32
  }
  func.func @transform_3(%arg0: i32) -> (i32, i32) {
    %c0_i32 = arith.constant 0 : i32
    %c0_i32_0 = arith.constant 0 : i32
    %c0_i32_1 = arith.constant 0 : i32
    return %c0_i32, %c0_i32_0 : i32, i32
  }
  func.func @transform_4(%arg0: i32) -> (i32, i32) {
    %c0_i32 = arith.constant 0 : i32
    %c0_i32_0 = arith.constant 0 : i32
    %c0_i32_1 = arith.constant 0 : i32
    return %c0_i32, %c0_i32_0 : i32, i32
  }
  func.func @transform_5(%arg0: i32) -> (i32, i32) {
    %c0_i32 = arith.constant 0 : i32
    %c0_i32_0 = arith.constant 0 : i32
    return %arg0, %c0_i32 : i32, i32
  }
}

</mosaic_0001>

<sc_bundles>
// kernel: kernel.11.cloned.1.call-start
scs
__scs_entry_jumppad:
0x0: {  	(pc) =	sbr.rel $0x88, $3  }
0x1: {  	(tag) =	ssettag $0x0;
	lr =	simm.s32 $0x1  }
0x2: {  	[smem:$0x3F99] =	sst lr;
	_ =	strace $0xD0000000  }
0x3: {  	_ = 	snop  }
0x4: {  	_ = 	snop  }
0x5: {  	_ = 	snop  }
0x6: {  	_ = 	snop  }
0x7: {  	_ = 	snop  }
__scs_overlays_trampoline_lowered:
0x8: {  	[smem:$0x3FA8] =	sst s0  }
0x9: {  	[smem:$0x3FA9] =	sst s1  }
0xa: {  	[smem:$0x3FAA] =	sst s2  }
0xb: {  	[smem:$0x3FAB] =	sst s3  }
0xc: {  	[smem:$0x3FAC] =	sst s4  }
0xd: {  	[smem:$0x3FAD] =	sst s5  }
0xe: {  	[smem:$0x3FAE] =	sst s6  }
0xf: {  	[smem:$0x3FAF] =	sst s7  }
0x10: {  	[smem:$0x3FB0] =	sst s8  }
0x11: {  	[smem:$0x3FB1] =	sst s9;
	s0 =	simm.s32 @!p0 $0x0  }
0x12: {  	s1 =	sld [smem:$0x3F97];
	s0 =	simm.s32 @p0 $0x1  }
0x13: {  	[smem:$0x3FB2] =	sst s0;
	s0 =	simm.s32 @!p1 $0x0  }
0x14: {  	s2 =	sld [smem:$0x3F96];
	s0 =	simm.s32 @p1 $0x1  }
0x15: {  	[smem:$0x3FB3] =	sst s0;
	s0 =	simm.s32 @!p2 $0x0  }
0x16: {  	s3 =	sld [smem:$0x3FDB];
	s0 =	simm.s32 @p2 $0x1  }
0x17: {  	s4 =	simm.s32 $0x1BF5;
	[smem:$0x3FB5] =	sst s0  }
0x18: {  	s0 =	sld [smem:$0x3F98];
	_ =	swait.ge [sflag:s4], $0x0  }
0x19: {  	s7 =	sld [smem:$0x3F99]  }
0x1a: {  	s8 =	sadd.s32 $0xFFFFE003, lr  }
0x1b: {  	s9 =	sadd.s32 $0xFFFFFEF7, lr;
	s5 =	simm.s32 $0xFFFFFFFF;
	p2 =	slt.u32 s8, $0xFFFFF086  }
0x1c: {  	p1 =	slt.u32 s9, $0xF7A;
	s5 =	simm.s32 @!p2 $0x0  }
0x1d: {  	s5 =	simm.s32 @p1 $0x1;
	p0 =	seq.s32 s7, s2  }
0x1e: {  	s7 =	smul.u32 @!p0 $0xF7A, s2;
	p2 =	seq.s32 @!p0 s5, $0x0  }
0x1f: {  	s9 =	smul.u32 $0xF7A, s1;
	s8 =	simm.s32 @!p0 $0x1BF5;
	p2 =	por !p2, p0  }
0x20: {  	[sflag:s8] =	ssyncset.s32 @!p0 $0xFFFFF086;
	s6 =	sadd.s32 @!p0 s3, s7;
	s7 =	simm.s32 @!p0 $0x108  }
0x21: {  	s3 =	sadd.s32 s3, s9;
	s6 =	sadd.s32 @!p0 $0x88, s6;
	s7 =	simm.s32 @p2 $0x1082  }
0x22: {  	[simem:s7], [sflag:s8] =	dma.local @!p0 [hbm:s6], $0xF7A  }
0x23: {  	s9 =	sor.u32 $0xD0000000, s2;
	s6 =	simm.s32 $0x108;
	_ =	swait.ge @!p0 [sflag:s8], $0x0  }
0x24: {  	s3 =	sadd.s32 $0x88, s3;
	s6 =	simm.s32 @!p1 $0x1082;
	[sflag:s4] =	ssyncset.s32 $0xFFFFF086  }
0x25: {  	[simem:s6], [sflag:s4] =	dma.local [hbm:s3], $0xF7A  }
0x26: {  	[smem:$0x3F99] =	sst s1;
	(tag) =	ssettag s2;
	_ =	strace s9  }
0x27: {  	s1 =	sld [smem:$0x3FA9]  }
0x28: {  	s2 =	sld [smem:$0x3FAA]  }
0x29: {  	s4 =	sld [smem:$0x3FAC]  }
0x2a: {  	p0 =	seq.s32 s5, $0x0;
	s5 =	sld [smem:$0x3FAD]  }
0x2b: {  	s6 =	sld [smem:$0x3FAE]  }
0x2c: {  	s7 =	sld [smem:$0x3FAF]  }
0x2d: {  	s3 =	simm.s32 $0x108;
	s8 =	sld [smem:$0x3FB0]  }
0x2e: {  	s3 =	simm.s32 @!p0 $0x1082;
	s9 =	sld [smem:$0x3FB1]  }
0x2f: {  	lr =	sadd.s32 s0, s3;
	s0 =	sld [smem:$0x3FA8]  }
0x30: {  	s3 =	sld [smem:$0x3FAB]  }
0x31: {  	[smem:$0x3FB4] =	sst s10  }
0x32: {  	s10 =	sld [smem:$0x3FB2];
	_ =	sdelay $0x3  }
0x33: {  	p0 =	seq.s32 s10, $0x1;
	s10 =	sld [smem:$0x3FB4];
	_ =	sdelay $0x3  }
0x34: {  	[smem:$0x3FB4] =	sst s10  }
0x35: {  	s10 =	sld [smem:$0x3FB3];
	_ =	sdelay $0x3  }
0x36: {  	p1 =	seq.s32 s10, $0x1;
	s10 =	sld [smem:$0x3FB4];
	_ =	sdelay $0x3  }
0x37: {  	[smem:$0x3FB4] =	sst s10  }
0x38: {  	s10 =	sld [smem:$0x3FB5]  }
0x39: {  	_ = 	snop;
	(pc) =	sbr.ind lr, $3  }
0x3a: {  	_ = 	snop  }
0x3b: {  	_ = 	snop  }
0x3c: {  	p2 =	seq.s32 s10, $0x1;
	s10 =	sld [smem:$0x3FB4]  }
0x3d: {  	_ =	shalt  }
0x3e: {  	_ =	shalt  }
0x3f: {  	_ =	shalt  }
0x40: {  	_ =	shalt  }
0x41: {  	_ =	shalt  }
0x42: {  	_ =	shalt  }
0x43: {  	_ =	shalt  }
0x44: {  	_ =	shalt  }
0x45: {  	_ =	shalt  }
0x46: {  	_ =	shalt  }
0x47: {  	_ =	shalt  }
0x48: {  	_ =	shalt  }
0x49: {  	_ =	shalt  }
0x4a: {  	_ =	shalt  }
0x4b: {  	_ =	shalt  }
0x4c: {  	_ =	shalt  }
0x4d: {  	_ =	shalt  }
0x4e: {  	_ =	shalt  }
0x4f: {  	_ =	shalt  }
0x50: {  	_ =	shalt  }
0x51: {  	_ =	shalt  }
0x52: {  	_ =	shalt  }
0x53: {  	_ =	shalt  }
0x54: {  	_ =	shalt  }
0x55: {  	_ =	shalt  }
0x56: {  	_ =	shalt  }
0x57: {  	_ =	shalt  }
0x58: {  	_ =	shalt  }
0x59: {  	_ =	shalt  }
0x5a: {  	_ =	shalt  }
0x5b: {  	_ =	shalt  }
0x5c: {  	_ =	shalt  }
0x5d: {  	_ =	shalt  }
0x5e: {  	_ =	shalt  }
0x5f: {  	_ =	shalt  }
0x60: {  	_ =	shalt  }
0x61: {  	_ =	shalt  }
0x62: {  	_ =	shalt  }
0x63: {  	_ =	shalt  }
0x64: {  	_ =	shalt  }
0x65: {  	_ =	shalt  }
0x66: {  	_ =	shalt  }
0x67: {  	_ =	shalt  }
0x68: {  	_ =	shalt  }
0x69: {  	_ =	shalt  }
0x6a: {  	_ =	shalt  }
0x6b: {  	_ =	shalt  }
0x6c: {  	_ =	shalt  }
0x6d: {  	_ =	shalt  }
0x6e: {  	_ =	shalt  }
0x6f: {  	_ =	shalt  }
0x70: {  	_ =	shalt  }
0x71: {  	_ =	shalt  }
0x72: {  	_ =	shalt  }
0x73: {  	_ =	shalt  }
0x74: {  	_ =	shalt  }
0x75: {  	_ =	shalt  }
0x76: {  	_ =	shalt  }
0x77: {  	_ =	shalt  }
0x78: {  	_ =	shalt  }
0x79: {  	_ =	shalt  }
0x7a: {  	_ =	shalt  }
0x7b: {  	_ =	shalt  }
0x7c: {  	_ =	shalt  }
0x7d: {  	_ =	shalt  }
0x7e: {  	_ =	shalt  }
0x7f: {  	_ =	shalt  }
0x80: {  	_ =	shalt  }
0x81: {  	_ =	shalt  }
0x82: {  	_ =	shalt  }
0x83: {  	_ =	shalt  }
0x84: {  	_ =	shalt  }
0x85: {  	_ =	shalt  }
0x86: {  	_ =	shalt  }
0x87: {  	_ =	shalt  }
.Lfunc_end0:
.L_simem_size_0:
called_computation.1_lowered:
.L_overlay_start_0:
0x88: {  	s2 =	sld [smem:$0x3FD9]  }
0x89: {  	s3 =	sld [smem:$0x3FFE];
	_ =	sdelay $0x1  }
0x8a: {  	s1 =	srdreg.scid  }
0x8b: {  	s0 =	sand.u32 $0x1, s1  }
0x8c: {  	s14 =	sshll.u32 s0, $0xA;
	s2 =	sadd.s32 s3, s2  }
0x8d: {  	s2 =	sadd.s32 s2, s14  }
0x8e: {  	[smem:$0x3FC0] =	sst s2  }
0x8f: {  	_ = 	snop  }
0x90: {  	s2 =	sld [smem:$0x3FD0];
	_ =	sdelay $0x2  }
0x91: {  	s15 =	simm.s32 $0xA;
	s4 =	simm.s32 $0x10  }
0x92: {  	[smem:s4], [sflag:s15] =	dma.local [hbm:s2], $0x1  }
0x93: {  	_ =	swait.eq [sflag:s15], $0x1  }
0x94: {  	[sflag:s15] =	ssyncset.done $0x0  }
0x95: {  	s16 =	sld [smem:$0x10];
	[sflag:s15] =	ssyncadd.s32 $0xFFFFFFFF  }
0x96: {  	s17 =	sld [smem:$0x11];
	(tm) =	ssettm $0x1  }
0x97: {  	s18 =	sld [smem:$0x3FFB];
	_ =	sdelay $0x3  }
0x98: {  	_ =	strace s18  }
0x99: {  	s4 =	sld [smem:$0x3FFC];
	_ =	sdelay $0x3  }
0x9a: {  	_ =	strace s4  }
0x9b: {  	s4 =	sld [smem:$0x3FFD];
	_ =	sdelay $0x3  }
0x9c: {  	_ =	strace s4  }
0x9d: {  	_ =	strace $0x8FFFFFFF  }
0x9e: {  	s19 =	sld [smem:$0x3FDB];
	_ =	sdelay $0x1  }
0x9f: {  	s5 =	simm.s32 $_scs_section_size  }
0xa0: {  	s6 =	simm.s32 $_size__tile_overlayer_lowered;
	s7 =	simm.s32 $_tile_overlayer_lowered  }
0xa1: {  	s22 =	simm.s32 $0x1BFF;
	s21 =	sshll.u32 s7, $0x1;
	s4 =	sadd.s32 s5, s19  }
0xa2: {  	s8 =	simm.s32 $0x0;
	s20 =	sshll.u32 s6, $0x1;
	s6 =	sadd.s32 s21, s4  }
0xa3: {  	[timem:s8], [sflag:s22] =	dma.local [hbm:s6], s20  }
0xa4: {  	_ =	swait.ge [sflag:s22], s20  }
0xa5: {  	s5 =	ssub.s32 $0x0, s20;
	[sflag:s22] =	ssyncset.done $0x0  }
0xa6: {  	[sflag:s22] =	ssyncadd.s32 s5;
	_ =	sdelay $0x1  }
0xa7: {  	s23 =	simm.s32 $0x1B8B  }
0xa8: {  	_ =	swait.ge [sflag:s23], $0x1  }
0xa9: {  	[sflag:s23] =	ssyncset.done $0x0  }
0xaa: {  	s25 =	simm.s32 $0x1B8E;
	s24 =	sld [smem:$0x3FFE];
	[sflag:s23] =	ssyncadd.s32 $0xFFFFFFFF  }
0xab: {  	s26 =	simm.s32 $execute0_lowered;
	[smem:$0x3FD2] =	sst s25  }
0xac: {  	s6 =	sshll.u32 s26, $0x1;
	_ =	strace $0x80000049;
	[dreg:$0x1] =	wrdreg $0xFFFFFFFF  }
0xad: {  	s28 =	simm.s32 $_size_execute0_lowered;
	s4 =	sadd.s32 s4, s6;
	[dreg:$0x0] =	wrdreg $0x0  }
0xae: {  	s6 =	sshll.u32 s28, $0x1;
	[dreg:$0x2] =	wrdreg s4  }
0xaf: {  	[dreg:$0x3] =	wrdreg s6  }
0xb0: {  	[dreg:$0x4] =	wrdreg $0xC0  }
0xb1: {  	_ =	task [dreg:s8], $0x5FFFF  }
0xb2: {  	[dreg:$0x1] =	wrdreg $0xFFFFFFFF  }
0xb3: {  	[dreg:$0x0] =	wrdreg $0x60  }
0xb4: {  	[dreg:$0x2] =	wrdreg s24  }
0xb5: {  	[dreg:$0x3] =	wrdreg s16  }
0xb6: {  	[dreg:$0x4] =	wrdreg s17  }
0xb7: {  	[dreg:$0x5] =	wrdreg $0x41000  }
0xb8: {  	[dreg:$0x6] =	wrdreg $0x9  }
0xb9: {  	_ =	task.clear_ibuf [dreg:s8], $0x7FFFF;
	_ =	strace $0x90000049  }
0xba: {  	s29 =	simm.s32 $0x9;
	_ =	strace $0x8000004B  }
0xbb: {  	_ =	swait.ge [sflag:s29], $0x1  }
0xbc: {  	[sflag:s29] =	ssyncadd.s32 $0xFFFFFFFF  }
0xbd: {  	_ =	strace $0x9000004B  }
0xbe: {  	_ =	sfence  }
0xbf: {  	s30 =	sld [smem:$0x0];
	_ =	sdelay $0x2  }
0xc0: {  	s31 =	sshll.u32 s1, $0xD;
	s1 =	sshrl.u32 s1, $0x2  }
0xc1: {  	s3 =	sand.u32 $0x4000, s31;
	s1 =	sadd.s32 s1, s30  }
0xc2: {  	s0 =	sor.u32 s3, s0;
	s1 =	sshll.u32 s1, $0x11  }
0xc3: {  	s0 =	sor.u32 s1, s0  }
0xc4: {  	s0 =	sadd.s32 $0x8F2B, s0  }
0xc5: {  	[sflag:s0] =	ssyncadd.remote.s32 $0x1  }
0xc6: {  	_ =	sfence.sel $0xFFFF  }
0xc7: {  	[dreg:$0x0] =	wrdreg $0xFFFFFFFF;
	(pc) =	sbr.abs _section_cstart, $3  }
0xc8: {  	[dreg:$0x1] =	wrdreg $0xFFFFFFFF  }
0xc9: {  	_ =	task.clear_ibuf [dreg:s8], $0x2FFFF;
	_ =	strace $0x9FFFFFFF  }
0xca: {  	(tm) =	ssettm $0x7FFFFFFF  }
0xcb: {  	_ =	shalt  }
tec
execute0_lowered:
.L_overlay_start_1:
0x0: {  	(tag) =	ssettag $0x1  }
0x1: {  	s5 =	rddreg [dreg:$0x0]  }
0x2: {  	s13 =	rddreg [dreg:$0x1]  }
0x3: {  	s11 =	rddreg [dreg:$0x2];
	s0 =	srdreg.scid  }
0x4: {  	s2 =	rddreg [dreg:$0x3];
	s1 =	stileid.u32;
	s3 =	simm.s32 $0x0  }
0x5: {  	s17 =	simm.s32 $0x1;
	s20 =	simm.s32 $0x0;
	s8 =	smul.u32 $0x14000, s1  }
0x6: {  	s7 =	sand.u32 $0x1, s0;
	s0 =	rddreg [dreg:$0x4];
	s9 =	smul.u32 $0x50000, s1  }
0x7: {  	[smem:$0x7FF] =	sst s3;
	s4 =	sadd.s32 $0x2200, s5;
	s15 =	smul.u32 $0x4F0, s1  }
0x8: {  	s18 =	sshll.u32 s1, $0x6;
	s6 =	smul.u32 $0x140000, s7;
	_ =	strace $0x8000004A  }
0x9: {  	s30 =	ssub.s32 $0x2, s7;
	s14 =	smul.u32 $0x4F00, s7;
	s18 =	sor.u32 $0x1C02, s18  }
0xa: {  	s9 =	sshrl.u32 s9, $0x2;
	s31 =	sshrl.u32 s30, $0x1;
	s6 =	sadd.s32 s8, s6  }
0xb: {  	s12 =	ssub.s32 s30, s31;
	s16 =	sadd.s32 s14, s11;
	s13 =	sadd.s32 s14, s13  }
0xc: {  	s14 =	simm.s32 $0x100;
	s6 =	sshrl.u32 s6, $0x3;
	s11 =	smax.u32 s12, $0x1  }
0xd: {  	s12 =	sadd.s32 s15, s16;
	s13 =	sadd.s32 s15, s13;
	s15 =	simm.s32 $0x2  }
0xe: {  	s16 =	simm.s32 $0x80;
	s10 =	sadd.s32 s6, s5;
	s5 =	sadd.s32 s9, s2  }
0xf: {  	s6 =	sadd.s32 $0x4000, s5;
	s7 =	sadd.s32 $0x8000, s5;
	s8 =	sadd.s32 $0xC000, s5  }
0x10: {  	v0 =	vimm.f32 $0.0e+00;
	s9 =	sadd.s32 $0x10000, s5;
	s10 =	sadd.s32 $0x2A200, s10;
	s19 =	sshrl.u32 s5, $0x3  }
.LBB2_1:
0x11: {  	s21 =	simm.s32 $0x0;
	s22 =	simm.s32 $0x200  }
.LBB2_2:
0x12: {  	p0 =	sne.s32 s22, $0xFE00;
	[tilespmem:s21+$0x170] =	vst v0  }
0x13: {  	[tilespmem:s21+$0x100] =	vst v0  }
0x14: {  	[tilespmem:s21+$0x110] =	vst v0  }
.Ltmp0:
0x15: {  	[tilespmem:s21+$0x120] =	vst v0;
	(pc) =	sbr.rel @p0 .LBB2_2-.Ltmp0, $4  }
0x16: {  	[tilespmem:s21+$0x130] =	vst v0  }
0x17: {  	[tilespmem:s21+$0x140] =	vst v0  }
0x18: {  	[tilespmem:s21+$0x150] =	vst v0  }
0x19: {  	[tilespmem:s21+$0x160] =	vst v0;
	s21 =	sshra.s32 s22, $0x2;
	s22 =	sadd.s32 $0x200, s22  }
0x1a: {  	[tilespmem:s21+$0x170] =	vst v0  }
0x1b: {  	[tilespmem:s21+$0x100] =	vst v0  }
0x1c: {  	[tilespmem:s21+$0x110] =	vst v0  }
0x1d: {  	[tilespmem:s21+$0x120] =	vst v0  }
0x1e: {  	[tilespmem:s21+$0x130] =	vst v0  }
0x1f: {  	[tilespmem:s21+$0x140] =	vst v0  }
0x20: {  	[tilespmem:s21+$0x150] =	vst v0  }
0x21: {  	[tilespmem:s21+$0x160] =	vst v0  }
0x22: {  	[spmem:s5] =	stream.linear.scatter [tilespmem:s14], [sflag:$0x2], $0x4000, $0x38;
	[tilespmem:$0x18100] =	vst v63  }
0x23: {  	_ =	swait.ge [sflag:s15], $0x4000  }
0x24: {  	[sflag:s15] =	ssyncset.done $0x0  }
0x25: {  	[sflag:s15] =	ssyncadd.s32 $0xFFFFC000  }
0x26: {  	[spmem:s6] =	stream.linear.scatter [tilespmem:s14], [sflag:$0x2], $0x4000, $0x38;
	[tilespmem:$0x18100] =	vst v63  }
0x27: {  	_ =	swait.ge [sflag:s15], $0x4000  }
0x28: {  	[sflag:s15] =	ssyncset.done $0x0  }
0x29: {  	[sflag:s15] =	ssyncadd.s32 $0xFFFFC000  }
0x2a: {  	[spmem:s7] =	stream.linear.scatter [tilespmem:s14], [sflag:$0x2], $0x4000, $0x38;
	[tilespmem:$0x18100] =	vst v63  }
0x2b: {  	_ =	swait.ge [sflag:s15], $0x4000  }
0x2c: {  	[sflag:s15] =	ssyncset.done $0x0  }
0x2d: {  	[sflag:s15] =	ssyncadd.s32 $0xFFFFC000  }
0x2e: {  	[spmem:s8] =	stream.linear.scatter [tilespmem:s14], [sflag:$0x2], $0x4000, $0x38;
	[tilespmem:$0x18100] =	vst v63  }
0x2f: {  	_ =	swait.ge [sflag:s15], $0x4000  }
0x30: {  	[sflag:s15] =	ssyncset.done $0x0  }
0x31: {  	[sflag:s15] =	ssyncadd.s32 $0xFFFFC000  }
0x32: {  	[spmem:s9] =	stream.linear.scatter [tilespmem:s14], [sflag:$0x2], $0x4000, $0x38;
	[tilespmem:$0x18100] =	vst v63  }
0x33: {  	_ =	swait.ge [sflag:s15], $0x4000  }
0x34: {  	[sflag:s15] =	ssyncset.done $0x0  }
0x35: {  	[sflag:s15] =	ssyncadd.s32 $0xFFFFC000  }
0x36: {  	s30 =	sadd.s32 $0x0, s13;
	[bflag:$0x0] =	sbarrier.arrive $0xFFFF  }
0x37: {  	[tilespmem:s3], [sflag:$0x2] =	stream.linear.gather [hbm4b:s30+s3], $0x80, $0x38;
	[tilespmem:$0x18100] =	vst v63  }
0x38: {  	_ =	swait.ge [sflag:s15], $0x80  }
0x39: {  	[sflag:s15] =	ssyncset.done $0x0  }
0x3a: {  	s31 =	sadd.s32 $0x0, s12;
	[sflag:s15] =	ssyncadd.s32 $0xFFFFFF80  }
0x3b: {  	[tilespmem:s16], [sflag:$0x2] =	stream.linear.gather [hbm4b:s31+s3], $0x80, $0x38;
	[tilespmem:$0x18100] =	vst v63  }
0x3c: {  	_ =	swait.ge [sflag:s15], $0x80  }
0x3d: {  	[sflag:s15] =	ssyncset.done $0x0  }
0x3e: {  	[sflag:s15] =	ssyncadd.s32 $0xFFFFFF80  }
0x3f: {  	[tilespmem:s14], [sflag:$0x1] =	stream.indirect.gather [hbm4b:s4+s16], $0x80, s3, s16, $0xb8;
	[tilespmem:$0x18100] =	vst v63  }
0x40: {  	_ =	swait.ge [sflag:s17], $0x4000  }
0x41: {  	[sflag:s17] =	ssyncset.done $0x0  }
0x42: {  	[sflag:s17] =	ssyncadd.s32 $0xFFFFC000  }
0x43: {  	[spmem:s2] =	stream.indirect.scatter.add.f32 [tilespmem:s14], [sflag:$0x2], $0x80, s16, s16, $0xb8;
	[tilespmem:$0x18100] =	vst v63  }
0x44: {  	_ =	swait.ge [sflag:s15], $0x4000  }
0x45: {  	s21 =	simm.s32 $0x10;
	s22 =	simm.s32 $0x20;
	[sflag:s15] =	ssyncset.done $0x0  }
.LBB2_4:
0x46: {  	s23 =	sadd.s32 s21, s13  }
0x47: {  	[sflag:s15] =	ssyncadd.s32 $0xFFFFC000;
	s24 =	smov.u32 s22;
	s25 =	sadd.s32 $0x10, s22  }
0x48: {  	[tilespmem:s3], [sflag:$0x2] =	stream.linear.gather [hbm4b:s23+s3], $0x80, $0x38;
	[tilespmem:$0x18100] =	vst v63  }
0x49: {  	p0 =	sne.s32 s22, $0x4E0;
	_ =	swait.ge [sflag:s15], $0x80  }
0x4a: {  	[sflag:s15] =	ssyncset.done $0x0  }
0x4b: {  	s22 =	sadd.s32 s21, s12;
	s21 =	smov.u32 s24;
	[sflag:s15] =	ssyncadd.s32 $0xFFFFFF80  }
0x4c: {  	[tilespmem:s16], [sflag:$0x2] =	stream.linear.gather [hbm4b:s22+s3], $0x80, $0x38;
	[tilespmem:$0x18100] =	vst v63  }
0x4d: {  	_ =	swait.ge [sflag:s15], $0x80  }
0x4e: {  	[sflag:s15] =	ssyncset.done $0x0  }
0x4f: {  	[sflag:s15] =	ssyncadd.s32 $0xFFFFFF80  }
0x50: {  	[tilespmem:s14], [sflag:$0x1] =	stream.indirect.gather [hbm4b:s4+s16], $0x80, s3, s16, $0xb8;
	[tilespmem:$0x18100] =	vst v63  }
0x51: {  	_ =	swait.ge [sflag:s17], $0x4000  }
.Ltmp1:
0x52: {  	[sflag:s17] =	ssyncset.done $0x0;
	(pc) =	sbr.rel @p0 .LBB2_4-.Ltmp1, $4  }
0x53: {  	[sflag:s17] =	ssyncadd.s32 $0xFFFFC000  }
0x54: {  	[spmem:s2] =	stream.indirect.scatter.add.f32 [tilespmem:s14], [sflag:$0x2], $0x80, s16, s16, $0xb8;
	[tilespmem:$0x18100] =	vst v63  }
0x55: {  	_ =	swait.ge [sflag:s15], $0x4000  }
0x56: {  	s22 =	smov.u32 s25;
	[sflag:s15] =	ssyncset.done $0x0  }
0x57: {  	s22 =	sadd.s32 s21, s13;
	[sflag:s15] =	ssyncadd.s32 $0xFFFFC000  }
0x58: {  	[tilespmem:s3], [sflag:$0x2] =	stream.linear.gather [hbm4b:s22+s3], $0x80, $0x38;
	[tilespmem:$0x18100] =	vst v63  }
0x59: {  	_ =	swait.ge [sflag:s15], $0x80  }
0x5a: {  	[sflag:s15] =	ssyncset.done $0x0  }
0x5b: {  	s31 =	sadd.s32 s21, s12;
	[sflag:s15] =	ssyncadd.s32 $0xFFFFFF80  }
0x5c: {  	[tilespmem:s16], [sflag:$0x2] =	stream.linear.gather [hbm4b:s31+s3], $0x80, $0x38;
	[tilespmem:$0x18100] =	vst v63  }
0x5d: {  	_ =	swait.ge [sflag:s15], $0x80  }
0x5e: {  	[sflag:s15] =	ssyncset.done $0x0  }
0x5f: {  	[sflag:s15] =	ssyncadd.s32 $0xFFFFFF80  }
0x60: {  	[tilespmem:s14], [sflag:$0x1] =	stream.indirect.gather [hbm4b:s4+s16], $0x80, s3, s16, $0xb8;
	[tilespmem:$0x18100] =	vst v63  }
0x61: {  	_ =	swait.ge [sflag:s17], $0x4000  }
0x62: {  	[sflag:s17] =	ssyncset.done $0x0  }
0x63: {  	[sflag:s17] =	ssyncadd.s32 $0xFFFFC000  }
0x64: {  	[spmem:s2] =	stream.indirect.scatter.add.f32 [tilespmem:s14], [sflag:$0x2], $0x80, s16, s16, $0xb8;
	[tilespmem:$0x18100] =	vst v63  }
0x65: {  	_ =	swait.ge [sflag:s15], $0x4000  }
0x66: {  	s20 =	sadd.s32 $0x1, s20;
	[sflag:s15] =	ssyncset.done $0x0  }
0x67: {  	p0 =	sne.s32 s20, s11;
	[sflag:s15] =	ssyncadd.s32 $0xFFFFC000  }
.Ltmp2:
0x68: {  	[bflag:$0x0] =	sbarrier.arrive $0xFFFF;
	(pc) =	sbr.rel @p0 .LBB2_1-.Ltmp2, $4  }
0x69: {  	[hbm:s10], [sflag:s18] =	dma.local [spmem:s19], $0x2800  }
0x6a: {  	_ =	swait.ge [sflag:s15], $0x2800  }
0x6b: {  	[sflag:s15] =	ssyncset.done $0x0  }
0x6c: {  	[sflag:s15] =	ssyncadd.s32 $0xFFFFD800  }
0x6d: {  	_ =	sfence.sel $0x180000  }
0x6e: {  	[bflag:$0x0] =	sbarrier.arrive $0xFFFF  }
0x6f: {  	p0 =	sne.s32 s1, $0x0;
	_ =	strace $0x9000004A  }
0x70: {  	s0 =	sadd.s32 @!p0 $0x100000, s0;
	[bflag:$0x2] =	sbarrier.arrive $0xFFFF  }
0x71: {  	[sflag:s0] =	ssyncadd.tile.s32 @!p0 $0x1;
	_ =	shalt  }
.Lfunc_end2:
_tile_overlayer_lowered:
.L_overlay_start_2:
0x72: {  	(tag) =	ssettag $0x2  }
0x73: {  	s0 =	rddreg [dreg:$0x0];
	s2 =	stileid.u32  }
0x74: {  	s1 =	rddreg [dreg:$0x1];
	p0 =	sne.s32 s2, $0x0  }
0x75: {  	s3 =	rddreg [dreg:$0x2];
	[bflag:$0x3] =	sbarrier.arrive $0xFFFF;
	s2 =	simm.s32 @!p0 $0x1C02  }
0x76: {  	[timem:s3], [sflag:s2] =	dma.local @!p0 [hbm:s0], s1  }
0x77: {  	s0 =	simm.s32 @!p0 $0x2  }
0x78: {  	_ =	swait.ge @!p0 [sflag:s0], s1  }
0x79: {  	s1 =	ssub.s32 @!p0 $0x0, s1;
	[sflag:s0] =	ssyncset.done @!p0 $0x0  }
0x7a: {  	[sflag:s0] =	ssyncadd.s32 @!p0 s1  }
0x7b: {  	[bflag:$0x3] =	sbarrier.arrive $0xFFFF  }
0x7c: {  	_ =	shalt  }

// kernel: kernel.14.cloned.1.call-start
scs
__scs_entry_jumppad:
0x0: {  	(pc) =	sbr.rel $0x88, $3  }
0x1: {  	(tag) =	ssettag $0x0;
	lr =	simm.s32 $0x1  }
0x2: {  	[smem:$0x3F99] =	sst lr;
	_ =	strace $0xD0000000  }
0x3: {  	_ = 	snop  }
0x4: {  	_ = 	snop  }
0x5: {  	_ = 	snop  }
0x6: {  	_ = 	snop  }
0x7: {  	_ = 	snop  }
__scs_overlays_trampoline_lowered:
0x8: {  	[smem:$0x3FA8] =	sst s0  }
0x9: {  	[smem:$0x3FA9] =	sst s1  }
0xa: {  	[smem:$0x3FAA] =	sst s2  }
0xb: {  	[smem:$0x3FAB] =	sst s3  }
0xc: {  	[smem:$0x3FAC] =	sst s4  }
0xd: {  	[smem:$0x3FAD] =	sst s5  }
0xe: {  	[smem:$0x3FAE] =	sst s6  }
0xf: {  	[smem:$0x3FAF] =	sst s7  }
0x10: {  	[smem:$0x3FB0] =	sst s8  }
0x11: {  	[smem:$0x3FB1] =	sst s9;
	s0 =	simm.s32 @!p0 $0x0  }
0x12: {  	s1 =	sld [smem:$0x3F97];
	s0 =	simm.s32 @p0 $0x1  }
0x13: {  	[smem:$0x3FB2] =	sst s0;
	s0 =	simm.s32 @!p1 $0x0  }
0x14: {  	s2 =	sld [smem:$0x3F96];
	s0 =	simm.s32 @p1 $0x1  }
0x15: {  	[smem:$0x3FB3] =	sst s0;
	s0 =	simm.s32 @!p2 $0x0  }
0x16: {  	s3 =	sld [smem:$0x3FDB];
	s0 =	simm.s32 @p2 $0x1  }
0x17: {  	s4 =	simm.s32 $0x1BF5;
	[smem:$0x3FB5] =	sst s0  }
0x18: {  	s0 =	sld [smem:$0x3F98];
	_ =	swait.ge [sflag:s4], $0x0  }
0x19: {  	s7 =	sld [smem:$0x3F99]  }
0x1a: {  	s8 =	sadd.s32 $0xFFFFE003, lr  }
0x1b: {  	s9 =	sadd.s32 $0xFFFFFEF7, lr;
	s5 =	simm.s32 $0xFFFFFFFF;
	p2 =	slt.u32 s8, $0xFFFFF086  }
0x1c: {  	p1 =	slt.u32 s9, $0xF7A;
	s5 =	simm.s32 @!p2 $0x0  }
0x1d: {  	s5 =	simm.s32 @p1 $0x1;
	p0 =	seq.s32 s7, s2  }
0x1e: {  	s7 =	smul.u32 @!p0 $0xF7A, s2;
	p2 =	seq.s32 @!p0 s5, $0x0  }
0x1f: {  	s9 =	smul.u32 $0xF7A, s1;
	s8 =	simm.s32 @!p0 $0x1BF5;
	p2 =	por !p2, p0  }
0x20: {  	[sflag:s8] =	ssyncset.s32 @!p0 $0xFFFFF086;
	s6 =	sadd.s32 @!p0 s3, s7;
	s7 =	simm.s32 @!p0 $0x108  }
0x21: {  	s3 =	sadd.s32 s3, s9;
	s6 =	sadd.s32 @!p0 $0x88, s6;
	s7 =	simm.s32 @p2 $0x1082  }
0x22: {  	[simem:s7], [sflag:s8] =	dma.local @!p0 [hbm:s6], $0xF7A  }
0x23: {  	s9 =	sor.u32 $0xD0000000, s2;
	s6 =	simm.s32 $0x108;
	_ =	swait.ge @!p0 [sflag:s8], $0x0  }
0x24: {  	s3 =	sadd.s32 $0x88, s3;
	s6 =	simm.s32 @!p1 $0x1082;
	[sflag:s4] =	ssyncset.s32 $0xFFFFF086  }
0x25: {  	[simem:s6], [sflag:s4] =	dma.local [hbm:s3], $0xF7A  }
0x26: {  	[smem:$0x3F99] =	sst s1;
	(tag) =	ssettag s2;
	_ =	strace s9  }
0x27: {  	s1 =	sld [smem:$0x3FA9]  }
0x28: {  	s2 =	sld [smem:$0x3FAA]  }
0x29: {  	s4 =	sld [smem:$0x3FAC]  }
0x2a: {  	p0 =	seq.s32 s5, $0x0;
	s5 =	sld [smem:$0x3FAD]  }
0x2b: {  	s6 =	sld [smem:$0x3FAE]  }
0x2c: {  	s7 =	sld [smem:$0x3FAF]  }
0x2d: {  	s3 =	simm.s32 $0x108;
	s8 =	sld [smem:$0x3FB0]  }
0x2e: {  	s3 =	simm.s32 @!p0 $0x1082;
	s9 =	sld [smem:$0x3FB1]  }
0x2f: {  	lr =	sadd.s32 s0, s3;
	s0 =	sld [smem:$0x3FA8]  }
0x30: {  	s3 =	sld [smem:$0x3FAB]  }
0x31: {  	[smem:$0x3FB4] =	sst s10  }
0x32: {  	s10 =	sld [smem:$0x3FB2];
	_ =	sdelay $0x3  }
0x33: {  	p0 =	seq.s32 s10, $0x1;
	s10 =	sld [smem:$0x3FB4];
	_ =	sdelay $0x3  }
0x34: {  	[smem:$0x3FB4] =	sst s10  }
0x35: {  	s10 =	sld [smem:$0x3FB3];
	_ =	sdelay $0x3  }
0x36: {  	p1 =	seq.s32 s10, $0x1;
	s10 =	sld [smem:$0x3FB4];
	_ =	sdelay $0x3  }
0x37: {  	[smem:$0x3FB4] =	sst s10  }
0x38: {  	s10 =	sld [smem:$0x3FB5]  }
0x39: {  	_ = 	snop;
	(pc) =	sbr.ind lr, $3  }
0x3a: {  	_ = 	snop  }
0x3b: {  	_ = 	snop  }
0x3c: {  	p2 =	seq.s32 s10, $0x1;
	s10 =	sld [smem:$0x3FB4]  }
0x3d: {  	_ =	shalt  }
0x3e: {  	_ =	shalt  }
0x3f: {  	_ =	shalt  }
0x40: {  	_ =	shalt  }
0x41: {  	_ =	shalt  }
0x42: {  	_ =	shalt  }
0x43: {  	_ =	shalt  }
0x44: {  	_ =	shalt  }
0x45: {  	_ =	shalt  }
0x46: {  	_ =	shalt  }
0x47: {  	_ =	shalt  }
0x48: {  	_ =	shalt  }
0x49: {  	_ =	shalt  }
0x4a: {  	_ =	shalt  }
0x4b: {  	_ =	shalt  }
0x4c: {  	_ =	shalt  }
0x4d: {  	_ =	shalt  }
0x4e: {  	_ =	shalt  }
0x4f: {  	_ =	shalt  }
0x50: {  	_ =	shalt  }
0x51: {  	_ =	shalt  }
0x52: {  	_ =	shalt  }
0x53: {  	_ =	shalt  }
0x54: {  	_ =	shalt  }
0x55: {  	_ =	shalt  }
0x56: {  	_ =	shalt  }
0x57: {  	_ =	shalt  }
0x58: {  	_ =	shalt  }
0x59: {  	_ =	shalt  }
0x5a: {  	_ =	shalt  }
0x5b: {  	_ =	shalt  }
0x5c: {  	_ =	shalt  }
0x5d: {  	_ =	shalt  }
0x5e: {  	_ =	shalt  }
0x5f: {  	_ =	shalt  }
0x60: {  	_ =	shalt  }
0x61: {  	_ =	shalt  }
0x62: {  	_ =	shalt  }
0x63: {  	_ =	shalt  }
0x64: {  	_ =	shalt  }
0x65: {  	_ =	shalt  }
0x66: {  	_ =	shalt  }
0x67: {  	_ =	shalt  }
0x68: {  	_ =	shalt  }
0x69: {  	_ =	shalt  }
0x6a: {  	_ =	shalt  }
0x6b: {  	_ =	shalt  }
0x6c: {  	_ =	shalt  }
0x6d: {  	_ =	shalt  }
0x6e: {  	_ =	shalt  }
0x6f: {  	_ =	shalt  }
0x70: {  	_ =	shalt  }
0x71: {  	_ =	shalt  }
0x72: {  	_ =	shalt  }
0x73: {  	_ =	shalt  }
0x74: {  	_ =	shalt  }
0x75: {  	_ =	shalt  }
0x76: {  	_ =	shalt  }
0x77: {  	_ =	shalt  }
0x78: {  	_ =	shalt  }
0x79: {  	_ =	shalt  }
0x7a: {  	_ =	shalt  }
0x7b: {  	_ =	shalt  }
0x7c: {  	_ =	shalt  }
0x7d: {  	_ =	shalt  }
0x7e: {  	_ =	shalt  }
0x7f: {  	_ =	shalt  }
0x80: {  	_ =	shalt  }
0x81: {  	_ =	shalt  }
0x82: {  	_ =	shalt  }
0x83: {  	_ =	shalt  }
0x84: {  	_ =	shalt  }
0x85: {  	_ =	shalt  }
0x86: {  	_ =	shalt  }
0x87: {  	_ =	shalt  }
.Lfunc_end0:
.L_simem_size_0:
called_computation.2_lowered:
.L_overlay_start_0:
0x88: {  	s2 =	sld [smem:$0x3FD9]  }
0x89: {  	s3 =	sld [smem:$0x3FFE];
	_ =	sdelay $0x1  }
0x8a: {  	s1 =	srdreg.scid  }
0x8b: {  	s0 =	sand.u32 $0x1, s1  }
0x8c: {  	s14 =	sshll.u32 s0, $0xA;
	s2 =	sadd.s32 s3, s2  }
0x8d: {  	s2 =	sadd.s32 s2, s14  }
0x8e: {  	[smem:$0x3FC0] =	sst s2  }
0x8f: {  	_ = 	snop  }
0x90: {  	s2 =	sld [smem:$0x3FD0];
	_ =	sdelay $0x2  }
0x91: {  	s15 =	simm.s32 $0xA;
	s4 =	simm.s32 $0x10  }
0x92: {  	[smem:s4], [sflag:s15] =	dma.local [hbm:s2], $0x1  }
0x93: {  	_ =	swait.eq [sflag:s15], $0x1  }
0x94: {  	[sflag:s15] =	ssyncset.done $0x0  }
0x95: {  	s16 =	sld [smem:$0x10];
	[sflag:s15] =	ssyncadd.s32 $0xFFFFFFFF  }
0x96: {  	s17 =	sld [smem:$0x11];
	(tm) =	ssettm $0x1  }
0x97: {  	s18 =	sld [smem:$0x3FFB];
	_ =	sdelay $0x3  }
0x98: {  	_ =	strace s18  }
0x99: {  	s4 =	sld [smem:$0x3FFC];
	_ =	sdelay $0x3  }
0x9a: {  	_ =	strace s4  }
0x9b: {  	s4 =	sld [smem:$0x3FFD];
	_ =	sdelay $0x3  }
0x9c: {  	_ =	strace s4  }
0x9d: {  	_ =	strace $0x8FFFFFFF  }
0x9e: {  	s19 =	sld [smem:$0x3FDB];
	_ =	sdelay $0x1  }
0x9f: {  	s5 =	simm.s32 $_scs_section_size  }
0xa0: {  	s6 =	simm.s32 $_size__tile_overlayer_lowered;
	s7 =	simm.s32 $_tile_overlayer_lowered  }
0xa1: {  	s22 =	simm.s32 $0x1BFF;
	s21 =	sshll.u32 s7, $0x1;
	s4 =	sadd.s32 s5, s19  }
0xa2: {  	s8 =	simm.s32 $0x0;
	s20 =	sshll.u32 s6, $0x1;
	s6 =	sadd.s32 s21, s4  }
0xa3: {  	[timem:s8], [sflag:s22] =	dma.local [hbm:s6], s20  }
0xa4: {  	_ =	swait.ge [sflag:s22], s20  }
0xa5: {  	s5 =	ssub.s32 $0x0, s20;
	[sflag:s22] =	ssyncset.done $0x0  }
0xa6: {  	[sflag:s22] =	ssyncadd.s32 s5;
	_ =	sdelay $0x1  }
0xa7: {  	s23 =	simm.s32 $0x1B8B  }
0xa8: {  	_ =	swait.ge [sflag:s23], $0x1  }
0xa9: {  	[sflag:s23] =	ssyncset.done $0x0  }
0xaa: {  	s25 =	simm.s32 $0x1B8E;
	s24 =	sld [smem:$0x3FFE];
	[sflag:s23] =	ssyncadd.s32 $0xFFFFFFFF  }
0xab: {  	s26 =	simm.s32 $execute0_lowered;
	[smem:$0x3FD2] =	sst s25  }
0xac: {  	s6 =	sshll.u32 s26, $0x1;
	_ =	strace $0x8000004C;
	[dreg:$0x1] =	wrdreg $0xFFFFFFFF  }
0xad: {  	s28 =	simm.s32 $_size_execute0_lowered;
	s4 =	sadd.s32 s4, s6;
	[dreg:$0x0] =	wrdreg $0x0  }
0xae: {  	s6 =	sshll.u32 s28, $0x1;
	[dreg:$0x2] =	wrdreg s4  }
0xaf: {  	[dreg:$0x3] =	wrdreg s6  }
0xb0: {  	[dreg:$0x4] =	wrdreg $0xC0  }
0xb1: {  	_ =	task [dreg:s8], $0x5FFFF  }
0xb2: {  	[dreg:$0x1] =	wrdreg $0xFFFFFFFF  }
0xb3: {  	[dreg:$0x0] =	wrdreg $0x60  }
0xb4: {  	[dreg:$0x2] =	wrdreg s24  }
0xb5: {  	[dreg:$0x3] =	wrdreg s16  }
0xb6: {  	[dreg:$0x4] =	wrdreg s17  }
0xb7: {  	[dreg:$0x5] =	wrdreg $0x41000  }
0xb8: {  	[dreg:$0x6] =	wrdreg $0x9  }
0xb9: {  	_ =	task.clear_ibuf [dreg:s8], $0x7FFFF;
	_ =	strace $0x9000004C  }
0xba: {  	s29 =	simm.s32 $0x9;
	_ =	strace $0x8000004E  }
0xbb: {  	_ =	swait.ge [sflag:s29], $0x1  }
0xbc: {  	[sflag:s29] =	ssyncadd.s32 $0xFFFFFFFF  }
0xbd: {  	_ =	strace $0x9000004E  }
0xbe: {  	_ =	sfence  }
0xbf: {  	s30 =	sld [smem:$0x0];
	_ =	sdelay $0x2  }
0xc0: {  	s31 =	sshll.u32 s1, $0xD;
	s1 =	sshrl.u32 s1, $0x2  }
0xc1: {  	s3 =	sand.u32 $0x4000, s31;
	s1 =	sadd.s32 s1, s30  }
0xc2: {  	s0 =	sor.u32 s3, s0;
	s1 =	sshll.u32 s1, $0x11  }
0xc3: {  	s0 =	sor.u32 s1, s0  }
0xc4: {  	s0 =	sadd.s32 $0x8F2B, s0  }
0xc5: {  	[sflag:s0] =	ssyncadd.remote.s32 $0x1  }
0xc6: {  	_ =	sfence.sel $0xFFFF  }
0xc7: {  	[dreg:$0x0] =	wrdreg $0xFFFFFFFF;
	(pc) =	sbr.abs _section_cstart, $3  }
0xc8: {  	[dreg:$0x1] =	wrdreg $0xFFFFFFFF  }
0xc9: {  	_ =	task.clear_ibuf [dreg:s8], $0x2FFFF;
	_ =	strace $0x9FFFFFFF  }
0xca: {  	(tm) =	ssettm $0x7FFFFFFF  }
0xcb: {  	_ =	shalt  }
tec
execute0_lowered:
.L_overlay_start_1:
0x0: {  	(tag) =	ssettag $0x1  }
0x1: {  	s5 =	rddreg [dreg:$0x0]  }
0x2: {  	s13 =	rddreg [dreg:$0x1]  }
0x3: {  	s11 =	rddreg [dreg:$0x2];
	s0 =	srdreg.scid  }
0x4: {  	s2 =	rddreg [dreg:$0x3];
	s1 =	stileid.u32;
	s3 =	simm.s32 $0x0  }
0x5: {  	s17 =	simm.s32 $0x1;
	s20 =	simm.s32 $0x0;
	s8 =	smul.u32 $0x14000, s1  }
0x6: {  	s7 =	sand.u32 $0x1, s0;
	s0 =	rddreg [dreg:$0x4];
	s9 =	smul.u32 $0x50000, s1  }
0x7: {  	[smem:$0x7FF] =	sst s3;
	s4 =	sadd.s32 $0x2200, s5;
	s15 =	smul.u32 $0x4F0, s1  }
0x8: {  	s18 =	sshll.u32 s1, $0x6;
	s6 =	smul.u32 $0x140000, s7;
	_ =	strace $0x8000004D  }
0x9: {  	s30 =	ssub.s32 $0x2, s7;
	s14 =	smul.u32 $0x4F00, s7;
	s18 =	sor.u32 $0x1C02, s18  }
0xa: {  	s9 =	sshrl.u32 s9, $0x2;
	s31 =	sshrl.u32 s30, $0x1;
	s6 =	sadd.s32 s8, s6  }
0xb: {  	s12 =	ssub.s32 s30, s31;
	s16 =	sadd.s32 s14, s11;
	s13 =	sadd.s32 s14, s13  }
0xc: {  	s14 =	simm.s32 $0x100;
	s6 =	sshrl.u32 s6, $0x3;
	s11 =	smax.u32 s12, $0x1  }
0xd: {  	s12 =	sadd.s32 s15, s16;
	s13 =	sadd.s32 s15, s13;
	s15 =	simm.s32 $0x2  }
0xe: {  	s16 =	simm.s32 $0x80;
	s10 =	sadd.s32 s6, s5;
	s5 =	sadd.s32 s9, s2  }
0xf: {  	s6 =	sadd.s32 $0x4000, s5;
	s7 =	sadd.s32 $0x8000, s5;
	s8 =	sadd.s32 $0xC000, s5  }
0x10: {  	v0 =	vimm.f32 $0.0e+00;
	s9 =	sadd.s32 $0x10000, s5;
	s10 =	sadd.s32 $0x2A200, s10;
	s19 =	sshrl.u32 s5, $0x3  }
.LBB2_1:
0x11: {  	s21 =	simm.s32 $0x0;
	s22 =	simm.s32 $0x200  }
.LBB2_2:
0x12: {  	p0 =	sne.s32 s22, $0xFE00;
	[tilespmem:s21+$0x170] =	vst v0  }
0x13: {  	[tilespmem:s21+$0x100] =	vst v0  }
0x14: {  	[tilespmem:s21+$0x110] =	vst v0  }
.Ltmp0:
0x15: {  	[tilespmem:s21+$0x120] =	vst v0;
	(pc) =	sbr.rel @p0 .LBB2_2-.Ltmp0, $4  }
0x16: {  	[tilespmem:s21+$0x130] =	vst v0  }
0x17: {  	[tilespmem:s21+$0x140] =	vst v0  }
0x18: {  	[tilespmem:s21+$0x150] =	vst v0  }
0x19: {  	[tilespmem:s21+$0x160] =	vst v0;
	s21 =	sshra.s32 s22, $0x2;
	s22 =	sadd.s32 $0x200, s22  }
0x1a: {  	[tilespmem:s21+$0x170] =	vst v0  }
0x1b: {  	[tilespmem:s21+$0x100] =	vst v0  }
0x1c: {  	[tilespmem:s21+$0x110] =	vst v0  }
0x1d: {  	[tilespmem:s21+$0x120] =	vst v0  }
0x1e: {  	[tilespmem:s21+$0x130] =	vst v0  }
0x1f: {  	[tilespmem:s21+$0x140] =	vst v0  }
0x20: {  	[tilespmem:s21+$0x150] =	vst v0  }
0x21: {  	[tilespmem:s21+$0x160] =	vst v0  }
0x22: {  	[spmem:s5] =	stream.linear.scatter [tilespmem:s14], [sflag:$0x2], $0x4000, $0x38;
	[tilespmem:$0x18100] =	vst v63  }
0x23: {  	_ =	swait.ge [sflag:s15], $0x4000  }
0x24: {  	[sflag:s15] =	ssyncset.done $0x0  }
0x25: {  	[sflag:s15] =	ssyncadd.s32 $0xFFFFC000  }
0x26: {  	[spmem:s6] =	stream.linear.scatter [tilespmem:s14], [sflag:$0x2], $0x4000, $0x38;
	[tilespmem:$0x18100] =	vst v63  }
0x27: {  	_ =	swait.ge [sflag:s15], $0x4000  }
0x28: {  	[sflag:s15] =	ssyncset.done $0x0  }
0x29: {  	[sflag:s15] =	ssyncadd.s32 $0xFFFFC000  }
0x2a: {  	[spmem:s7] =	stream.linear.scatter [tilespmem:s14], [sflag:$0x2], $0x4000, $0x38;
	[tilespmem:$0x18100] =	vst v63  }
0x2b: {  	_ =	swait.ge [sflag:s15], $0x4000  }
0x2c: {  	[sflag:s15] =	ssyncset.done $0x0  }
0x2d: {  	[sflag:s15] =	ssyncadd.s32 $0xFFFFC000  }
0x2e: {  	[spmem:s8] =	stream.linear.scatter [tilespmem:s14], [sflag:$0x2], $0x4000, $0x38;
	[tilespmem:$0x18100] =	vst v63  }
0x2f: {  	_ =	swait.ge [sflag:s15], $0x4000  }
0x30: {  	[sflag:s15] =	ssyncset.done $0x0  }
0x31: {  	[sflag:s15] =	ssyncadd.s32 $0xFFFFC000  }
0x32: {  	[spmem:s9] =	stream.linear.scatter [tilespmem:s14], [sflag:$0x2], $0x4000, $0x38;
	[tilespmem:$0x18100] =	vst v63  }
0x33: {  	_ =	swait.ge [sflag:s15], $0x4000  }
0x34: {  	[sflag:s15] =	ssyncset.done $0x0  }
0x35: {  	[sflag:s15] =	ssyncadd.s32 $0xFFFFC000  }
0x36: {  	s30 =	sadd.s32 $0x0, s13;
	[bflag:$0x0] =	sbarrier.arrive $0xFFFF  }
0x37: {  	[tilespmem:s3], [sflag:$0x2] =	stream.linear.gather [hbm4b:s30+s3], $0x80, $0x38;
	[tilespmem:$0x18100] =	vst v63  }
0x38: {  	_ =	swait.ge [sflag:s15], $0x80  }
0x39: {  	[sflag:s15] =	ssyncset.done $0x0  }
0x3a: {  	s31 =	sadd.s32 $0x0, s12;
	[sflag:s15] =	ssyncadd.s32 $0xFFFFFF80  }
0x3b: {  	[tilespmem:s16], [sflag:$0x2] =	stream.linear.gather [hbm4b:s31+s3], $0x80, $0x38;
	[tilespmem:$0x18100] =	vst v63  }
0x3c: {  	_ =	swait.ge [sflag:s15], $0x80  }
0x3d: {  	[sflag:s15] =	ssyncset.done $0x0  }
0x3e: {  	[sflag:s15] =	ssyncadd.s32 $0xFFFFFF80  }
0x3f: {  	[tilespmem:s14], [sflag:$0x1] =	stream.indirect.gather [hbm4b:s4+s16], $0x80, s3, s16, $0xb8;
	[tilespmem:$0x18100] =	vst v63  }
0x40: {  	_ =	swait.ge [sflag:s17], $0x4000  }
0x41: {  	[sflag:s17] =	ssyncset.done $0x0  }
0x42: {  	[sflag:s17] =	ssyncadd.s32 $0xFFFFC000  }
0x43: {  	[spmem:s2] =	stream.indirect.scatter.add.f32 [tilespmem:s14], [sflag:$0x2], $0x80, s16, s16, $0xb8;
	[tilespmem:$0x18100] =	vst v63  }
0x44: {  	_ =	swait.ge [sflag:s15], $0x4000  }
0x45: {  	s21 =	simm.s32 $0x10;
	s22 =	simm.s32 $0x20;
	[sflag:s15] =	ssyncset.done $0x0  }
.LBB2_4:
0x46: {  	s23 =	sadd.s32 s21, s13  }
0x47: {  	[sflag:s15] =	ssyncadd.s32 $0xFFFFC000;
	s24 =	smov.u32 s22;
	s25 =	sadd.s32 $0x10, s22  }
0x48: {  	[tilespmem:s3], [sflag:$0x2] =	stream.linear.gather [hbm4b:s23+s3], $0x80, $0x38;
	[tilespmem:$0x18100] =	vst v63  }
0x49: {  	p0 =	sne.s32 s22, $0x4E0;
	_ =	swait.ge [sflag:s15], $0x80  }
0x4a: {  	[sflag:s15] =	ssyncset.done $0x0  }
0x4b: {  	s22 =	sadd.s32 s21, s12;
	s21 =	smov.u32 s24;
	[sflag:s15] =	ssyncadd.s32 $0xFFFFFF80  }
0x4c: {  	[tilespmem:s16], [sflag:$0x2] =	stream.linear.gather [hbm4b:s22+s3], $0x80, $0x38;
	[tilespmem:$0x18100] =	vst v63  }
0x4d: {  	_ =	swait.ge [sflag:s15], $0x80  }
0x4e: {  	[sflag:s15] =	ssyncset.done $0x0  }
0x4f: {  	[sflag:s15] =	ssyncadd.s32 $0xFFFFFF80  }
0x50: {  	[tilespmem:s14], [sflag:$0x1] =	stream.indirect.gather [hbm4b:s4+s16], $0x80, s3, s16, $0xb8;
	[tilespmem:$0x18100] =	vst v63  }
0x51: {  	_ =	swait.ge [sflag:s17], $0x4000  }
.Ltmp1:
0x52: {  	[sflag:s17] =	ssyncset.done $0x0;
	(pc) =	sbr.rel @p0 .LBB2_4-.Ltmp1, $4  }
0x53: {  	[sflag:s17] =	ssyncadd.s32 $0xFFFFC000  }
0x54: {  	[spmem:s2] =	stream.indirect.scatter.add.f32 [tilespmem:s14], [sflag:$0x2], $0x80, s16, s16, $0xb8;
	[tilespmem:$0x18100] =	vst v63  }
0x55: {  	_ =	swait.ge [sflag:s15], $0x4000  }
0x56: {  	s22 =	smov.u32 s25;
	[sflag:s15] =	ssyncset.done $0x0  }
0x57: {  	s22 =	sadd.s32 s21, s13;
	[sflag:s15] =	ssyncadd.s32 $0xFFFFC000  }
0x58: {  	[tilespmem:s3], [sflag:$0x2] =	stream.linear.gather [hbm4b:s22+s3], $0x80, $0x38;
	[tilespmem:$0x18100] =	vst v63  }
0x59: {  	_ =	swait.ge [sflag:s15], $0x80  }
0x5a: {  	[sflag:s15] =	ssyncset.done $0x0  }
0x5b: {  	s31 =	sadd.s32 s21, s12;
	[sflag:s15] =	ssyncadd.s32 $0xFFFFFF80  }
0x5c: {  	[tilespmem:s16], [sflag:$0x2] =	stream.linear.gather [hbm4b:s31+s3], $0x80, $0x38;
	[tilespmem:$0x18100] =	vst v63  }
0x5d: {  	_ =	swait.ge [sflag:s15], $0x80  }
0x5e: {  	[sflag:s15] =	ssyncset.done $0x0  }
0x5f: {  	[sflag:s15] =	ssyncadd.s32 $0xFFFFFF80  }
0x60: {  	[tilespmem:s14], [sflag:$0x1] =	stream.indirect.gather [hbm4b:s4+s16], $0x80, s3, s16, $0xb8;
	[tilespmem:$0x18100] =	vst v63  }
0x61: {  	_ =	swait.ge [sflag:s17], $0x4000  }
0x62: {  	[sflag:s17] =	ssyncset.done $0x0  }
0x63: {  	[sflag:s17] =	ssyncadd.s32 $0xFFFFC000  }
0x64: {  	[spmem:s2] =	stream.indirect.scatter.add.f32 [tilespmem:s14], [sflag:$0x2], $0x80, s16, s16, $0xb8;
	[tilespmem:$0x18100] =	vst v63  }
0x65: {  	_ =	swait.ge [sflag:s15], $0x4000  }
0x66: {  	s20 =	sadd.s32 $0x1, s20;
	[sflag:s15] =	ssyncset.done $0x0  }
0x67: {  	p0 =	sne.s32 s20, s11;
	[sflag:s15] =	ssyncadd.s32 $0xFFFFC000  }
.Ltmp2:
0x68: {  	[bflag:$0x0] =	sbarrier.arrive $0xFFFF;
	(pc) =	sbr.rel @p0 .LBB2_1-.Ltmp2, $4  }
0x69: {  	[hbm:s10], [sflag:s18] =	dma.local [spmem:s19], $0x2800  }
0x6a: {  	_ =	swait.ge [sflag:s15], $0x2800  }
0x6b: {  	[sflag:s15] =	ssyncset.done $0x0  }
0x6c: {  	[sflag:s15] =	ssyncadd.s32 $0xFFFFD800  }
0x6d: {  	_ =	sfence.sel $0x180000  }
0x6e: {  	[bflag:$0x0] =	sbarrier.arrive $0xFFFF  }
0x6f: {  	p0 =	sne.s32 s1, $0x0;
	_ =	strace $0x9000004D  }
0x70: {  	s0 =	sadd.s32 @!p0 $0x100000, s0;
	[bflag:$0x2] =	sbarrier.arrive $0xFFFF  }
0x71: {  	[sflag:s0] =	ssyncadd.tile.s32 @!p0 $0x1;
	_ =	shalt  }
.Lfunc_end2:
_tile_overlayer_lowered:
.L_overlay_start_2:
0x72: {  	(tag) =	ssettag $0x2  }
0x73: {  	s0 =	rddreg [dreg:$0x0];
	s2 =	stileid.u32  }
0x74: {  	s1 =	rddreg [dreg:$0x1];
	p0 =	sne.s32 s2, $0x0  }
0x75: {  	s3 =	rddreg [dreg:$0x2];
	[bflag:$0x3] =	sbarrier.arrive $0xFFFF;
	s2 =	simm.s32 @!p0 $0x1C02  }
0x76: {  	[timem:s3], [sflag:s2] =	dma.local @!p0 [hbm:s0], s1  }
0x77: {  	s0 =	simm.s32 @!p0 $0x2  }
0x78: {  	_ =	swait.ge @!p0 [sflag:s0], s1  }
0x79: {  	s1 =	ssub.s32 @!p0 $0x0, s1;
	[sflag:s0] =	ssyncset.done @!p0 $0x0  }
0x7a: {  	[sflag:s0] =	ssyncadd.s32 @!p0 s1  }
0x7b: {  	[bflag:$0x3] =	sbarrier.arrive $0xFFFF  }
0x7c: {  	_ =	shalt  }

// kernel: kernel.8.cloned.1.call-start
scs
__scs_entry_jumppad:
0x0: {  	(pc) =	sbr.rel $0x88, $3  }
0x1: {  	(tag) =	ssettag $0x0;
	lr =	simm.s32 $0x1  }
0x2: {  	[smem:$0x3F99] =	sst lr;
	_ =	strace $0xD0000000  }
0x3: {  	_ = 	snop  }
0x4: {  	_ = 	snop  }
0x5: {  	_ = 	snop  }
0x6: {  	_ = 	snop  }
0x7: {  	_ = 	snop  }
__scs_overlays_trampoline_lowered:
0x8: {  	[smem:$0x3FA8] =	sst s0  }
0x9: {  	[smem:$0x3FA9] =	sst s1  }
0xa: {  	[smem:$0x3FAA] =	sst s2  }
0xb: {  	[smem:$0x3FAB] =	sst s3  }
0xc: {  	[smem:$0x3FAC] =	sst s4  }
0xd: {  	[smem:$0x3FAD] =	sst s5  }
0xe: {  	[smem:$0x3FAE] =	sst s6  }
0xf: {  	[smem:$0x3FAF] =	sst s7  }
0x10: {  	[smem:$0x3FB0] =	sst s8  }
0x11: {  	[smem:$0x3FB1] =	sst s9;
	s0 =	simm.s32 @!p0 $0x0  }
0x12: {  	s1 =	sld [smem:$0x3F97];
	s0 =	simm.s32 @p0 $0x1  }
0x13: {  	[smem:$0x3FB2] =	sst s0;
	s0 =	simm.s32 @!p1 $0x0  }
0x14: {  	s2 =	sld [smem:$0x3F96];
	s0 =	simm.s32 @p1 $0x1  }
0x15: {  	[smem:$0x3FB3] =	sst s0;
	s0 =	simm.s32 @!p2 $0x0  }
0x16: {  	s3 =	sld [smem:$0x3FDB];
	s0 =	simm.s32 @p2 $0x1  }
0x17: {  	s4 =	simm.s32 $0x1BF5;
	[smem:$0x3FB5] =	sst s0  }
0x18: {  	s0 =	sld [smem:$0x3F98];
	_ =	swait.ge [sflag:s4], $0x0  }
0x19: {  	s7 =	sld [smem:$0x3F99]  }
0x1a: {  	s8 =	sadd.s32 $0xFFFFE003, lr  }
0x1b: {  	s9 =	sadd.s32 $0xFFFFFEF7, lr;
	s5 =	simm.s32 $0xFFFFFFFF;
	p2 =	slt.u32 s8, $0xFFFFF086  }
0x1c: {  	p1 =	slt.u32 s9, $0xF7A;
	s5 =	simm.s32 @!p2 $0x0  }
0x1d: {  	s5 =	simm.s32 @p1 $0x1;
	p0 =	seq.s32 s7, s2  }
0x1e: {  	s7 =	smul.u32 @!p0 $0xF7A, s2;
	p2 =	seq.s32 @!p0 s5, $0x0  }
0x1f: {  	s9 =	smul.u32 $0xF7A, s1;
	s8 =	simm.s32 @!p0 $0x1BF5;
	p2 =	por !p2, p0  }
0x20: {  	[sflag:s8] =	ssyncset.s32 @!p0 $0xFFFFF086;
	s6 =	sadd.s32 @!p0 s3, s7;
	s7 =	simm.s32 @!p0 $0x108  }
0x21: {  	s3 =	sadd.s32 s3, s9;
	s6 =	sadd.s32 @!p0 $0x88, s6;
	s7 =	simm.s32 @p2 $0x1082  }
0x22: {  	[simem:s7], [sflag:s8] =	dma.local @!p0 [hbm:s6], $0xF7A  }
0x23: {  	s9 =	sor.u32 $0xD0000000, s2;
	s6 =	simm.s32 $0x108;
	_ =	swait.ge @!p0 [sflag:s8], $0x0  }
0x24: {  	s3 =	sadd.s32 $0x88, s3;
	s6 =	simm.s32 @!p1 $0x1082;
	[sflag:s4] =	ssyncset.s32 $0xFFFFF086  }
0x25: {  	[simem:s6], [sflag:s4] =	dma.local [hbm:s3], $0xF7A  }
0x26: {  	[smem:$0x3F99] =	sst s1;
	(tag) =	ssettag s2;
	_ =	strace s9  }
0x27: {  	s1 =	sld [smem:$0x3FA9]  }
0x28: {  	s2 =	sld [smem:$0x3FAA]  }
0x29: {  	s4 =	sld [smem:$0x3FAC]  }
0x2a: {  	p0 =	seq.s32 s5, $0x0;
	s5 =	sld [smem:$0x3FAD]  }
0x2b: {  	s6 =	sld [smem:$0x3FAE]  }
0x2c: {  	s7 =	sld [smem:$0x3FAF]  }
0x2d: {  	s3 =	simm.s32 $0x108;
	s8 =	sld [smem:$0x3FB0]  }
0x2e: {  	s3 =	simm.s32 @!p0 $0x1082;
	s9 =	sld [smem:$0x3FB1]  }
0x2f: {  	lr =	sadd.s32 s0, s3;
	s0 =	sld [smem:$0x3FA8]  }
0x30: {  	s3 =	sld [smem:$0x3FAB]  }
0x31: {  	[smem:$0x3FB4] =	sst s10  }
0x32: {  	s10 =	sld [smem:$0x3FB2];
	_ =	sdelay $0x3  }
0x33: {  	p0 =	seq.s32 s10, $0x1;
	s10 =	sld [smem:$0x3FB4];
	_ =	sdelay $0x3  }
0x34: {  	[smem:$0x3FB4] =	sst s10  }
0x35: {  	s10 =	sld [smem:$0x3FB3];
	_ =	sdelay $0x3  }
0x36: {  	p1 =	seq.s32 s10, $0x1;
	s10 =	sld [smem:$0x3FB4];
	_ =	sdelay $0x3  }
0x37: {  	[smem:$0x3FB4] =	sst s10  }
0x38: {  	s10 =	sld [smem:$0x3FB5]  }
0x39: {  	_ = 	snop;
	(pc) =	sbr.ind lr, $3  }
0x3a: {  	_ = 	snop  }
0x3b: {  	_ = 	snop  }
0x3c: {  	p2 =	seq.s32 s10, $0x1;
	s10 =	sld [smem:$0x3FB4]  }
0x3d: {  	_ =	shalt  }
0x3e: {  	_ =	shalt  }
0x3f: {  	_ =	shalt  }
0x40: {  	_ =	shalt  }
0x41: {  	_ =	shalt  }
0x42: {  	_ =	shalt  }
0x43: {  	_ =	shalt  }
0x44: {  	_ =	shalt  }
0x45: {  	_ =	shalt  }
0x46: {  	_ =	shalt  }
0x47: {  	_ =	shalt  }
0x48: {  	_ =	shalt  }
0x49: {  	_ =	shalt  }
0x4a: {  	_ =	shalt  }
0x4b: {  	_ =	shalt  }
0x4c: {  	_ =	shalt  }
0x4d: {  	_ =	shalt  }
0x4e: {  	_ =	shalt  }
0x4f: {  	_ =	shalt  }
0x50: {  	_ =	shalt  }
0x51: {  	_ =	shalt  }
0x52: {  	_ =	shalt  }
0x53: {  	_ =	shalt  }
0x54: {  	_ =	shalt  }
0x55: {  	_ =	shalt  }
0x56: {  	_ =	shalt  }
0x57: {  	_ =	shalt  }
0x58: {  	_ =	shalt  }
0x59: {  	_ =	shalt  }
0x5a: {  	_ =	shalt  }
0x5b: {  	_ =	shalt  }
0x5c: {  	_ =	shalt  }
0x5d: {  	_ =	shalt  }
0x5e: {  	_ =	shalt  }
0x5f: {  	_ =	shalt  }
0x60: {  	_ =	shalt  }
0x61: {  	_ =	shalt  }
0x62: {  	_ =	shalt  }
0x63: {  	_ =	shalt  }
0x64: {  	_ =	shalt  }
0x65: {  	_ =	shalt  }
0x66: {  	_ =	shalt  }
0x67: {  	_ =	shalt  }
0x68: {  	_ =	shalt  }
0x69: {  	_ =	shalt  }
0x6a: {  	_ =	shalt  }
0x6b: {  	_ =	shalt  }
0x6c: {  	_ =	shalt  }
0x6d: {  	_ =	shalt  }
0x6e: {  	_ =	shalt  }
0x6f: {  	_ =	shalt  }
0x70: {  	_ =	shalt  }
0x71: {  	_ =	shalt  }
0x72: {  	_ =	shalt  }
0x73: {  	_ =	shalt  }
0x74: {  	_ =	shalt  }
0x75: {  	_ =	shalt  }
0x76: {  	_ =	shalt  }
0x77: {  	_ =	shalt  }
0x78: {  	_ =	shalt  }
0x79: {  	_ =	shalt  }
0x7a: {  	_ =	shalt  }
0x7b: {  	_ =	shalt  }
0x7c: {  	_ =	shalt  }
0x7d: {  	_ =	shalt  }
0x7e: {  	_ =	shalt  }
0x7f: {  	_ =	shalt  }
0x80: {  	_ =	shalt  }
0x81: {  	_ =	shalt  }
0x82: {  	_ =	shalt  }
0x83: {  	_ =	shalt  }
0x84: {  	_ =	shalt  }
0x85: {  	_ =	shalt  }
0x86: {  	_ =	shalt  }
0x87: {  	_ =	shalt  }
.Lfunc_end0:
.L_simem_size_0:
called_computation_lowered:
.L_overlay_start_0:
0x88: {  	s2 =	sld [smem:$0x3FD9]  }
0x89: {  	s3 =	sld [smem:$0x3FFE];
	_ =	sdelay $0x1  }
0x8a: {  	s1 =	srdreg.scid  }
0x8b: {  	s0 =	sand.u32 $0x1, s1  }
0x8c: {  	s14 =	sshll.u32 s0, $0xA;
	s2 =	sadd.s32 s3, s2  }
0x8d: {  	s2 =	sadd.s32 s2, s14  }
0x8e: {  	[smem:$0x3FC0] =	sst s2  }
0x8f: {  	_ = 	snop  }
0x90: {  	s2 =	sld [smem:$0x3FD0];
	_ =	sdelay $0x2  }
0x91: {  	s15 =	simm.s32 $0xA;
	s4 =	simm.s32 $0x10  }
0x92: {  	[smem:s4], [sflag:s15] =	dma.local [hbm:s2], $0x1  }
0x93: {  	_ =	swait.eq [sflag:s15], $0x1  }
0x94: {  	[sflag:s15] =	ssyncset.done $0x0  }
0x95: {  	[sflag:s15] =	ssyncadd.s32 $0xFFFFFFFF  }
0x96: {  	s16 =	sld [smem:$0x11];
	(tm) =	ssettm $0x1  }
0x97: {  	s17 =	sld [smem:$0x3FFB];
	_ =	sdelay $0x3  }
0x98: {  	_ =	strace s17  }
0x99: {  	s3 =	sld [smem:$0x3FFC];
	_ =	sdelay $0x3  }
0x9a: {  	_ =	strace s3  }
0x9b: {  	s3 =	sld [smem:$0x3FFD];
	_ =	sdelay $0x3  }
0x9c: {  	_ =	strace s3  }
0x9d: {  	_ =	strace $0x8FFFFFFF  }
0x9e: {  	s18 =	sld [smem:$0x3FDB];
	_ =	sdelay $0x1  }
0x9f: {  	s19 =	simm.s32 $_scs_section_size  }
0xa0: {  	s5 =	simm.s32 $_size__tile_overlayer_lowered;
	s6 =	simm.s32 $_tile_overlayer_lowered  }
0xa1: {  	s22 =	simm.s32 $0x1BFF;
	s21 =	sshll.u32 s6, $0x1;
	s3 =	sadd.s32 s19, s18  }
0xa2: {  	s7 =	simm.s32 $0x0;
	s20 =	sshll.u32 s5, $0x1;
	s5 =	sadd.s32 s21, s3  }
0xa3: {  	[timem:s7], [sflag:s22] =	dma.local [hbm:s5], s20  }
0xa4: {  	_ =	swait.ge [sflag:s22], s20  }
0xa5: {  	s4 =	ssub.s32 $0x0, s20;
	[sflag:s22] =	ssyncset.done $0x0  }
0xa6: {  	[sflag:s22] =	ssyncadd.s32 s4;
	_ =	sdelay $0x1  }
0xa7: {  	s23 =	simm.s32 $0x1B8B  }
0xa8: {  	_ =	swait.ge [sflag:s23], $0x1  }
0xa9: {  	[sflag:s23] =	ssyncset.done $0x0  }
0xaa: {  	s25 =	simm.s32 $0x1B8E;
	s24 =	sld [smem:$0x3FFE];
	[sflag:s23] =	ssyncadd.s32 $0xFFFFFFFF  }
0xab: {  	s26 =	simm.s32 $execute0_lowered;
	[smem:$0x3FD2] =	sst s25  }
0xac: {  	s5 =	sshll.u32 s26, $0x1;
	_ =	strace $0x80000046;
	[dreg:$0x1] =	wrdreg $0xFFFFFFFF  }
0xad: {  	s28 =	simm.s32 $_size_execute0_lowered;
	s3 =	sadd.s32 s3, s5;
	[dreg:$0x0] =	wrdreg $0x0  }
0xae: {  	s5 =	sshll.u32 s28, $0x1;
	[dreg:$0x2] =	wrdreg s3  }
0xaf: {  	[dreg:$0x3] =	wrdreg s5  }
0xb0: {  	[dreg:$0x4] =	wrdreg $0xC0  }
0xb1: {  	_ =	task [dreg:s7], $0x5FFFF  }
0xb2: {  	[dreg:$0x1] =	wrdreg $0xFFFFFFFF  }
0xb3: {  	[dreg:$0x0] =	wrdreg $0x60  }
0xb4: {  	[dreg:$0x2] =	wrdreg s16  }
0xb5: {  	[dreg:$0x3] =	wrdreg s24  }
0xb6: {  	[dreg:$0x4] =	wrdreg $0x40800  }
0xb7: {  	[dreg:$0x5] =	wrdreg $0x9  }
0xb8: {  	_ =	task.clear_ibuf [dreg:s7], $0x6FFFF;
	_ =	strace $0x90000046  }
0xb9: {  	s29 =	simm.s32 $0x9;
	_ =	strace $0x80000048  }
0xba: {  	_ =	swait.ge [sflag:s29], $0x1  }
0xbb: {  	[sflag:s29] =	ssyncadd.s32 $0xFFFFFFFF  }
0xbc: {  	_ =	strace $0x90000048  }
0xbd: {  	_ =	sfence  }
0xbe: {  	s30 =	sld [smem:$0x0];
	_ =	sdelay $0x2  }
0xbf: {  	s31 =	sshll.u32 s1, $0xD;
	s1 =	sshrl.u32 s1, $0x2  }
0xc0: {  	s3 =	sand.u32 $0x4000, s31;
	s1 =	sadd.s32 s1, s30  }
0xc1: {  	s0 =	sor.u32 s3, s0;
	s1 =	sshll.u32 s1, $0x11  }
0xc2: {  	s0 =	sor.u32 s1, s0  }
0xc3: {  	s0 =	sadd.s32 $0x8F2B, s0  }
0xc4: {  	[sflag:s0] =	ssyncadd.remote.s32 $0x1  }
0xc5: {  	_ =	sfence.sel $0xFFFF  }
0xc6: {  	[dreg:$0x0] =	wrdreg $0xFFFFFFFF;
	(pc) =	sbr.abs _section_cstart, $3  }
0xc7: {  	[dreg:$0x1] =	wrdreg $0xFFFFFFFF  }
0xc8: {  	_ =	task.clear_ibuf [dreg:s7], $0x2FFFF;
	_ =	strace $0x9FFFFFFF  }
0xc9: {  	(tm) =	ssettm $0x7FFFFFFF  }
tec
execute0_lowered:
.L_overlay_start_1:
0x0: {  	(tag) =	ssettag $0x1  }
0x1: {  	s9 =	rddreg [dreg:$0x0]  }
0x2: {  	s0 =	srdreg.scid;
	s4 =	rddreg [dreg:$0x1]  }
0x3: {  	s2 =	rddreg [dreg:$0x2];
	s5 =	sand.u32 $0x1, s0  }
0x4: {  	s0 =	stileid.u32;
	s6 =	smul.u32 $0x140000, s5  }
0x5: {  	s1 =	rddreg [dreg:$0x3];
	s3 =	simm.s32 $0x0;
	s7 =	smul.u32 $0x14000, s0  }
0x6: {  	s16 =	simm.s32 $0x0;
	[smem:$0x7FF] =	sst s3;
	s29 =	smul.u32 $0x50000, s0  }
0x7: {  	_ =	strace $0x80000047;
	s8 =	ssub.s32 $0x2, s5;
	s12 =	smul.u32 $0x4F00, s5  }
0x8: {  	s13 =	smul.u32 $0x4F0, s0;
	s14 =	sshll.u32 s0, $0x6;
	s6 =	sadd.s32 s7, s6  }
0x9: {  	s30 =	sshrl.u32 s8, $0x1;
	s31 =	sshrl.u32 s29, $0x2;
	s6 =	sshrl.u32 s6, $0x3  }
0xa: {  	s14 =	sor.u32 $0x1C01, s14;
	s10 =	sadd.s32 s6, s4;
	s4 =	sadd.s32 s31, s2  }
0xb: {  	s11 =	ssub.s32 s8, s30;
	s12 =	sadd.s32 s12, s9;
	s5 =	sadd.s32 $0x4000, s4  }
0xc: {  	s6 =	sadd.s32 $0x8000, s4;
	s7 =	sadd.s32 $0xC000, s4;
	s8 =	sadd.s32 $0x10000, s4  }
0xd: {  	s9 =	sadd.s32 $0x2200, s10;
	s10 =	smax.u32 s11, $0x1;
	s11 =	sadd.s32 s13, s12  }
0xe: {  	v0 =	vimm.f32 $0.0e+00;
	v1 =	vimm.f32 $1.000000000e+00;
	s12 =	simm.s32 $0x80;
	s13 =	simm.s32 $0x1;
	s15 =	sshrl.u32 s4, $0x3  }
.LBB2_1:
0xf: {  	s17 =	simm.s32 $0x0;
	s18 =	simm.s32 $0x200  }
.LBB2_2:
0x10: {  	p0 =	sne.s32 s18, $0xFE00;
	[tilespmem:s17+$0xF0] =	vst v0  }
0x11: {  	[tilespmem:s17+$0x80] =	vst v0  }
0x12: {  	[tilespmem:s17+$0x90] =	vst v0  }
.Ltmp0:
0x13: {  	[tilespmem:s17+$0xA0] =	vst v0;
	(pc) =	sbr.rel @p0 .LBB2_2-.Ltmp0, $4  }
0x14: {  	[tilespmem:s17+$0xB0] =	vst v0  }
0x15: {  	[tilespmem:s17+$0xC0] =	vst v0  }
0x16: {  	[tilespmem:s17+$0xD0] =	vst v0  }
0x17: {  	[tilespmem:s17+$0xE0] =	vst v0;
	s17 =	sshra.s32 s18, $0x2;
	s18 =	sadd.s32 $0x200, s18  }
0x18: {  	[tilespmem:s17+$0xF0] =	vst v0  }
0x19: {  	[tilespmem:s17+$0x80] =	vst v0  }
0x1a: {  	[tilespmem:s17+$0x90] =	vst v0  }
0x1b: {  	[tilespmem:s17+$0xA0] =	vst v0  }
0x1c: {  	[tilespmem:s17+$0xB0] =	vst v0  }
0x1d: {  	[tilespmem:s17+$0xC0] =	vst v0  }
0x1e: {  	[tilespmem:s17+$0xD0] =	vst v0  }
0x1f: {  	[tilespmem:s17+$0xE0] =	vst v0  }
0x20: {  	[spmem:s4] =	stream.linear.scatter [tilespmem:s12], [sflag:$0x1], $0x4000, $0x38;
	[tilespmem:$0x18080] =	vst v63  }
0x21: {  	_ =	swait.ge [sflag:s13], $0x4000  }
0x22: {  	[sflag:s13] =	ssyncset.done $0x0  }
0x23: {  	[sflag:s13] =	ssyncadd.s32 $0xFFFFC000  }
0x24: {  	[spmem:s5] =	stream.linear.scatter [tilespmem:s12], [sflag:$0x1], $0x4000, $0x38;
	[tilespmem:$0x18080] =	vst v63  }
0x25: {  	_ =	swait.ge [sflag:s13], $0x4000  }
0x26: {  	[sflag:s13] =	ssyncset.done $0x0  }
0x27: {  	[sflag:s13] =	ssyncadd.s32 $0xFFFFC000  }
0x28: {  	[spmem:s6] =	stream.linear.scatter [tilespmem:s12], [sflag:$0x1], $0x4000, $0x38;
	[tilespmem:$0x18080] =	vst v63  }
0x29: {  	_ =	swait.ge [sflag:s13], $0x4000  }
0x2a: {  	[sflag:s13] =	ssyncset.done $0x0  }
0x2b: {  	[sflag:s13] =	ssyncadd.s32 $0xFFFFC000  }
0x2c: {  	[spmem:s7] =	stream.linear.scatter [tilespmem:s12], [sflag:$0x1], $0x4000, $0x38;
	[tilespmem:$0x18080] =	vst v63  }
0x2d: {  	_ =	swait.ge [sflag:s13], $0x4000  }
0x2e: {  	[sflag:s13] =	ssyncset.done $0x0  }
0x2f: {  	[sflag:s13] =	ssyncadd.s32 $0xFFFFC000  }
0x30: {  	[spmem:s8] =	stream.linear.scatter [tilespmem:s12], [sflag:$0x1], $0x4000, $0x38;
	[tilespmem:$0x18080] =	vst v63  }
0x31: {  	_ =	swait.ge [sflag:s13], $0x4000  }
0x32: {  	[sflag:s13] =	ssyncset.done $0x0  }
0x33: {  	s17 =	simm.s32 $0x0;
	s18 =	simm.s32 $0x200;
	[sflag:s13] =	ssyncadd.s32 $0xFFFFC000  }
.LBB2_4:
0x34: {  	p0 =	sne.s32 s18, $0xFE00;
	[tilespmem:s17+$0xF0] =	vst v1  }
0x35: {  	[tilespmem:s17+$0x80] =	vst v1  }
0x36: {  	[tilespmem:s17+$0x90] =	vst v1  }
.Ltmp1:
0x37: {  	[tilespmem:s17+$0xA0] =	vst v1;
	(pc) =	sbr.rel @p0 .LBB2_4-.Ltmp1, $4  }
0x38: {  	[tilespmem:s17+$0xB0] =	vst v1  }
0x39: {  	[tilespmem:s17+$0xC0] =	vst v1  }
0x3a: {  	[tilespmem:s17+$0xD0] =	vst v1  }
0x3b: {  	[tilespmem:s17+$0xE0] =	vst v1;
	s17 =	sshra.s32 s18, $0x2;
	s18 =	sadd.s32 $0x200, s18  }
0x3c: {  	[tilespmem:s17+$0xF0] =	vst v1  }
0x3d: {  	[tilespmem:s17+$0x80] =	vst v1  }
0x3e: {  	[tilespmem:s17+$0x90] =	vst v1  }
0x3f: {  	[tilespmem:s17+$0xA0] =	vst v1  }
0x40: {  	[tilespmem:s17+$0xB0] =	vst v1  }
0x41: {  	[tilespmem:s17+$0xC0] =	vst v1  }
0x42: {  	[tilespmem:s17+$0xD0] =	vst v1  }
0x43: {  	[tilespmem:s17+$0xE0] =	vst v1  }
0x44: {  	s31 =	sadd.s32 $0x0, s11;
	[bflag:$0x0] =	sbarrier.arrive $0xFFFF  }
0x45: {  	[tilespmem:s3], [sflag:$0x1] =	stream.linear.gather [hbm4b:s31+s3], $0x80, $0x38;
	[tilespmem:$0x18080] =	vst v63  }
0x46: {  	_ =	swait.ge [sflag:s13], $0x80  }
0x47: {  	[sflag:s13] =	ssyncset.done $0x0  }
0x48: {  	[sflag:s13] =	ssyncadd.s32 $0xFFFFFF80  }
0x49: {  	[spmem:s2] =	stream.indirect.scatter.add.f32 [tilespmem:s12], [sflag:$0x1], $0x80, s3, s12, $0xb8;
	[tilespmem:$0x18080] =	vst v63  }
0x4a: {  	_ =	swait.ge [sflag:s13], $0x4000  }
0x4b: {  	s17 =	simm.s32 $0x10;
	s18 =	simm.s32 $0x20;
	[sflag:s13] =	ssyncset.done $0x0  }
.LBB2_6:
0x4c: {  	s19 =	sadd.s32 s17, s11  }
0x4d: {  	[sflag:s13] =	ssyncadd.s32 $0xFFFFC000;
	s17 =	smov.u32 s18;
	s20 =	sadd.s32 $0x10, s18  }
0x4e: {  	[tilespmem:s3], [sflag:$0x1] =	stream.linear.gather [hbm4b:s19+s3], $0x80, $0x38;
	[tilespmem:$0x18080] =	vst v63  }
0x4f: {  	p0 =	sne.s32 s18, $0x4E0;
	_ =	swait.ge [sflag:s13], $0x80  }
.Ltmp2:
0x50: {  	[sflag:s13] =	ssyncset.done $0x0;
	(pc) =	sbr.rel @p0 .LBB2_6-.Ltmp2, $4  }
0x51: {  	[sflag:s13] =	ssyncadd.s32 $0xFFFFFF80  }
0x52: {  	[spmem:s2] =	stream.indirect.scatter.add.f32 [tilespmem:s12], [sflag:$0x1], $0x80, s3, s12, $0xb8;
	[tilespmem:$0x18080] =	vst v63  }
0x53: {  	_ =	swait.ge [sflag:s13], $0x4000  }
0x54: {  	s18 =	smov.u32 s20;
	[sflag:s13] =	ssyncset.done $0x0  }
0x55: {  	s17 =	sadd.s32 s17, s11;
	[sflag:s13] =	ssyncadd.s32 $0xFFFFC000  }
0x56: {  	[tilespmem:s3], [sflag:$0x1] =	stream.linear.gather [hbm4b:s17+s3], $0x80, $0x38;
	[tilespmem:$0x18080] =	vst v63  }
0x57: {  	_ =	swait.ge [sflag:s13], $0x80  }
0x58: {  	[sflag:s13] =	ssyncset.done $0x0  }
0x59: {  	[sflag:s13] =	ssyncadd.s32 $0xFFFFFF80  }
0x5a: {  	[spmem:s2] =	stream.indirect.scatter.add.f32 [tilespmem:s12], [sflag:$0x1], $0x80, s3, s12, $0xb8;
	[tilespmem:$0x18080] =	vst v63  }
0x5b: {  	_ =	swait.ge [sflag:s13], $0x4000  }
0x5c: {  	s16 =	sadd.s32 $0x1, s16;
	[sflag:s13] =	ssyncset.done $0x0  }
0x5d: {  	p0 =	sne.s32 s16, s10;
	[sflag:s13] =	ssyncadd.s32 $0xFFFFC000  }
.Ltmp3:
0x5e: {  	[bflag:$0x0] =	sbarrier.arrive $0xFFFF;
	(pc) =	sbr.rel @p0 .LBB2_1-.Ltmp3, $4  }
0x5f: {  	[hbm:s9], [sflag:s14] =	dma.local [spmem:s15], $0x2800  }
0x60: {  	_ =	swait.ge [sflag:s13], $0x2800  }
0x61: {  	[sflag:s13] =	ssyncset.done $0x0  }
0x62: {  	[sflag:s13] =	ssyncadd.s32 $0xFFFFD800  }
0x63: {  	_ =	sfence.sel $0x180000  }
0x64: {  	[bflag:$0x0] =	sbarrier.arrive $0xFFFF  }
0x65: {  	p0 =	sne.s32 s0, $0x0;
	_ =	strace $0x90000047  }
0x66: {  	s0 =	sadd.s32 @!p0 $0x100000, s1;
	[bflag:$0x2] =	sbarrier.arrive $0xFFFF  }
0x67: {  	[sflag:s0] =	ssyncadd.tile.s32 @!p0 $0x1;
	_ =	shalt  }
.Lfunc_end2:
_tile_overlayer_lowered:
.L_overlay_start_2:
0x68: {  	(tag) =	ssettag $0x2  }
0x69: {  	s0 =	rddreg [dreg:$0x0];
	s2 =	stileid.u32  }
0x6a: {  	s1 =	rddreg [dreg:$0x1];
	p0 =	sne.s32 s2, $0x0  }
0x6b: {  	s3 =	rddreg [dreg:$0x2];
	[bflag:$0x3] =	sbarrier.arrive $0xFFFF;
	s2 =	simm.s32 @!p0 $0x1C01  }
0x6c: {  	[timem:s3], [sflag:s2] =	dma.local @!p0 [hbm:s0], s1  }
0x6d: {  	s0 =	simm.s32 @!p0 $0x1  }
0x6e: {  	_ =	swait.ge @!p0 [sflag:s0], s1  }
0x6f: {  	s1 =	ssub.s32 @!p0 $0x0, s1;
	[sflag:s0] =	ssyncset.done @!p0 $0x0  }
0x70: {  	[sflag:s0] =	ssyncadd.s32 @!p0 s1  }
0x71: {  	[bflag:$0x3] =	sbarrier.arrive $0xFFFF  }
0x72: {  	_ =	shalt  }

</sc_bundles>
